<compile_context>
chip_gen: v7x
topology: tpu7x:2x2x1
jax: 0.10.2.dev20260603
libtpu: 0.0.44.dev20260713+nightly
codegen_flags: <defaults>
</compile_context>

<pallas_src>
import functools

import jax
import jax.numpy as jnp
from jax import lax
from jax.experimental import pallas as pl
from jax.experimental.pallas import tpu as pltpu
from jax.experimental.pallas import tpu_sc as plsc

_N = 10000
_E = 320000
_H = 128
_L = 4
_G = 64
_VOCAB = 128
_NFEAT = 9

_NP = 10240
_NW = 32
_RS = _NP // 16
_K = 128
_NCH = 81
_EAP = _NW * _NCH * _K
_EW = _EAP // _NW
_NODES_W = _NP // _NW
_EMB_C = 80
_MESH = plsc.VectorSubcoreMesh(core_axis_name="c", subcore_axis_name="s")

_f32 = jnp.float32
_i32 = jnp.int32



@functools.partial(
    pl.kernel,
    mesh=_MESH,
    out_type=[jax.ShapeDtypeStruct((_NP, _H), _f32),
              jax.ShapeDtypeStruct((2, _NP), _f32)],
    scratch_types=[
        pltpu.VMEM((_EMB_C,), _i32),
        pltpu.VMEM((_EMB_C, _H), _f32),
        pltpu.VMEM((_EMB_C, _H), _f32),
        pltpu.VMEM((_K,), _i32),
        pltpu.VMEM((_K,), _f32),
        pltpu.VMEM((_RS,), _f32),
        pltpu.VMEM_SHARED((_NP,), _f32),
        pltpu.SemaphoreType.DMA,
    ],
)
def _sc_embed_deg(emb_hbm, eidx_hbm, dstp_hbm, h0_hbm, degp_hbm,
                  idx_v, acc_v, buf_v, dst_v, ones_v, zb_v, deg_s, sem):
    c = lax.axis_index("c")
    s = lax.axis_index("s")
    w = c * 16 + s

    def _zf(i, _):
        zb_v[pl.ds(i * 16, 16)] = jnp.zeros((16,), _f32)
        return 0
    lax.fori_loop(0, _RS // 16, _zf, 0)

    def _fill(i, _):
        ones_v[pl.ds(i * 16, 16)] = jnp.full((16,), 1.0, _f32)
        return 0
    lax.fori_loop(0, _K // 16, _fill, 0)
    pltpu.sync_copy(zb_v, deg_s.at[pl.ds(s * _RS, _RS)])
    plsc.subcore_barrier()

    ebase = w * _EW

    def _deg(i, _):
        pltpu.sync_copy(dstp_hbm.at[pl.ds(ebase + i * _K, _K)], dst_v)
        pltpu.sync_copy(ones_v, deg_s.at[dst_v], add=True)
        return 0
    lax.fori_loop(0, _NCH, _deg, 0)

    nbase = w * _NODES_W

    def _chunk(ci, _):
        base = nbase + ci * _EMB_C
        pltpu.sync_copy(eidx_hbm.at[pl.ds(base, _EMB_C)], idx_v)
        pltpu.async_copy(emb_hbm.at[idx_v], acc_v, sem).wait()

        def _feat(f, _2):
            pltpu.sync_copy(eidx_hbm.at[pl.ds(f * _NP + base, _EMB_C)], idx_v)
            pltpu.async_copy(emb_hbm.at[idx_v], buf_v, sem).wait()

            def _row(r, _3):
                def _vec(q, _4):
                    acc_v[r, pl.ds(q * 16, 16)] = (
                        acc_v[r, pl.ds(q * 16, 16)] + buf_v[r, pl.ds(q * 16, 16)])
                    return 0
                lax.fori_loop(0, _H // 16, _vec, 0)
                return 0
            lax.fori_loop(0, _EMB_C, _row, 0)
            return 0
        lax.fori_loop(1, _NFEAT, _feat, 0)
        pltpu.sync_copy(acc_v, h0_hbm.at[pl.ds(base, _EMB_C), :])
        return 0
    lax.fori_loop(0, _NODES_W // _EMB_C, _chunk, 0)

    plsc.subcore_barrier()
    pltpu.sync_copy(deg_s.at[pl.ds(s * _RS, _RS)],
                    degp_hbm.at[c, pl.ds(s * _RS, _RS)])


@functools.partial(
    pl.kernel,
    mesh=_MESH,
    out_type=jax.ShapeDtypeStruct((2, _NP, _H), _f32),
    scratch_types=[
        pltpu.VMEM((_K,), _i32),
        pltpu.VMEM((_K,), _i32),
        pltpu.VMEM((_K, _H), _f32),
        pltpu.VMEM_SHARED((_NP, _H), _f32),
        pltpu.SemaphoreType.DMA,
    ],
)
def _sc_spmm(ht_hbm, srcp_hbm, dstp_hbm, zrows_hbm, agg2_hbm,
             src_v, dst_v, msg_v, agg_s, sem):
    c = lax.axis_index("c")
    s = lax.axis_index("s")
    w = c * 16 + s

    pltpu.sync_copy(zrows_hbm.at[pl.ds(s * _RS, _RS), :],
                    agg_s.at[pl.ds(s * _RS, _RS), :])
    plsc.subcore_barrier()

    ebase = w * _EW

    def _body(i, _):
        pltpu.sync_copy(srcp_hbm.at[pl.ds(ebase + i * _K, _K)], src_v)
        pltpu.sync_copy(dstp_hbm.at[pl.ds(ebase + i * _K, _K)], dst_v)
        pltpu.async_copy(ht_hbm.at[src_v], msg_v, sem).wait()
        pltpu.sync_copy(msg_v, agg_s.at[dst_v], add=True)
        return 0
    lax.fori_loop(0, _NCH, _body, 0)

    plsc.subcore_barrier()
    pltpu.sync_copy(agg_s.at[pl.ds(s * _RS, _RS), :],
                    agg2_hbm.at[c, pl.ds(s * _RS, _RS), :])



def _tc_prep_body(h0_ref, degp_ref, norm_ref, ht_ref):
    d = degp_ref[...]
    deg = (d[0] + d[1])[:, None]
    valid = lax.broadcasted_iota(_i32, (_NP, 1), 0) < _N
    nrm = jnp.where(valid, lax.rsqrt(jnp.maximum(deg, 1.0)), 0.0)
    norm_ref[...] = nrm
    ht_ref[...] = h0_ref[...] * nrm


_tc_prep = pl.pallas_call(
    _tc_prep_body,
    out_shape=(jax.ShapeDtypeStruct((_NP, 1), _f32),
               jax.ShapeDtypeStruct((_NP, _H), _f32)),
)


def _layer_h(agg_ref, hprev_ref, nrm, w_ref, b_ref, g_ref, be_ref):
    ag = agg_ref[...]
    a = (ag[0] + ag[1]) * nrm
    t = jnp.dot(a, w_ref[...], preferred_element_type=_f32) + b_ref[...]
    valid = lax.broadcasted_iota(_i32, (_NP, 1), 0) < _N
    tm = jnp.where(valid, t, 0.0)
    mean = jnp.sum(tm, axis=0, keepdims=True) * (1.0 / _N)
    dv = jnp.where(valid, t - mean, 0.0)
    var = jnp.sum(dv * dv, axis=0, keepdims=True) * (1.0 / _N)
    y = (t - mean) * lax.rsqrt(var + 1e-5) * g_ref[...] + be_ref[...]
    y = jnp.maximum(y, 0.0) + hprev_ref[...]
    return jnp.where(valid, y, 0.0)


def _tc_dense_body(agg_ref, hprev_ref, norm_ref, w_ref, b_ref, g_ref, be_ref,
                   h_ref, ht_ref):
    nrm = norm_ref[...]
    h = _layer_h(agg_ref, hprev_ref, nrm, w_ref, b_ref, g_ref, be_ref)
    h_ref[...] = h
    ht_ref[...] = h * nrm


_tc_dense = pl.pallas_call(
    _tc_dense_body,
    out_shape=(jax.ShapeDtypeStruct((_NP, _H), _f32),
               jax.ShapeDtypeStruct((_NP, _H), _f32)),
)


def _tc_final_body(agg_ref, hprev_ref, norm_ref, w_ref, b_ref, g_ref, be_ref,
                   bid_ref, w1_ref, b1_ref, w2_ref, b2_ref, w3_ref, b3_ref,
                   out_ref):
    h = _layer_h(agg_ref, hprev_ref, norm_ref[...], w_ref, b_ref, g_ref, be_ref)
    bid = bid_ref[...]
    gid = lax.broadcasted_iota(_i32, (1, _G), 1)
    onehot = (bid == gid).astype(_f32)
    sums = lax.dot_general(onehot, h, (((0,), (0,)), ((), ())),
                           preferred_element_type=_f32)
    counts = jnp.sum(onehot, axis=0)[:, None]
    pooled = sums / jnp.maximum(counts, 1.0)
    z = jnp.maximum(jnp.dot(pooled, w1_ref[...], preferred_element_type=_f32)
                    + b1_ref[...], 0.0)
    z = jnp.maximum(jnp.dot(z, w2_ref[...], preferred_element_type=_f32)
                    + b2_ref[...], 0.0)
    out_ref[...] = (jnp.dot(z, w3_ref[...], preferred_element_type=_f32)
                    + b3_ref[...])


_tc_final = pl.pallas_call(
    _tc_final_body,
    out_shape=jax.ShapeDtypeStruct((_G, 1), _f32),
)



def kernel(x, edge_index, batch_ids, atom_emb, Ws, bs, gammas, betas,
           W1, b1, W2, b2, W3, b3):
    x = x.astype(_i32)
    src = edge_index[0].astype(_i32)
    dst = edge_index[1].astype(_i32)
    loop = jnp.arange(_N, dtype=_i32)
    padv = jnp.full((_EAP - (_E + _N),), _NP - 1, _i32)
    srcp = jnp.concatenate([src, loop, padv])
    dstp = jnp.concatenate([dst, loop, padv])

    xp = jnp.zeros((_NP, _NFEAT), _i32).at[:_N].set(x)
    eidx = (xp + jnp.arange(_NFEAT, dtype=_i32)[None, :] * _VOCAB).T.reshape(-1)
    emb_flat = atom_emb.reshape(_NFEAT * _VOCAB, _H)

    zrows = jnp.zeros((_NP, _H), _f32)
    bidp = jnp.concatenate(
        [batch_ids.astype(_i32), jnp.full((_NP - _N,), _G, _i32)])[:, None]

    h0, degp = _sc_embed_deg(emb_flat, eidx, dstp)
    norm, ht = _tc_prep(h0, degp)

    h = h0
    out = None
    for i in range(_L):
        agg2 = _sc_spmm(ht, srcp, dstp, zrows)
        wi = Ws[i]
        bi = bs[i][None, :]
        gi = gammas[i][None, :]
        bei = betas[i][None, :]
        if i < _L - 1:
            h, ht = _tc_dense(agg2, h, norm, wi, bi, gi, bei)
        else:
            out = _tc_final(agg2, h, norm, wi, bi, gi, bei, bidp,
                            W1, b1[None, :], W2, b2[None, :], W3, b3[None, :])
    return out

# --- scband reference (transcript-rebuilt; emitter-appended) ---
"""Pipeline reference for scband-hivnet-4398046511479 (READ-ONLY COPY).

The authoritative reference and input builder live on the scoring server;
editing this copy changes nothing except your own understanding.
"""

import jax, jax.numpy as jnp
import numpy as np

N = 10000
E = 320000
H = 128
L = 4
G = 64
VOCAB = 128
NFEAT = 9

def setup_inputs(seed: int = 0):
    key = jax.random.key(seed)
    ks = jax.random.split(key, 20)
    x = jax.random.randint(ks[0], (N, NFEAT), 0, 100)
    edge_index = jax.random.randint(ks[1], (2, E), 0, N)
    batch_ids = jnp.sort(jax.random.randint(ks[2], (N,), 0, G))
    atom_emb = jax.random.normal(ks[3], (NFEAT, VOCAB, H), dtype=jnp.float32) * 0.02
    Ws = jax.random.normal(ks[4], (L, H, H), dtype=jnp.float32) * (1.0 / np.sqrt(H))
    bs = jnp.zeros((L, H), dtype=jnp.float32)
    gammas = jnp.ones((L, H), dtype=jnp.float32)
    betas = jnp.zeros((L, H), dtype=jnp.float32)
    W1 = jax.random.normal(ks[5], (H, H // 2), dtype=jnp.float32) * (1.0 / np.sqrt(H))
    b1 = jnp.zeros((H // 2,), dtype=jnp.float32)
    W2 = jax.random.normal(ks[6], (H // 2, H // 4), dtype=jnp.float32) * (1.0 / np.sqrt(H // 2))
    b2 = jnp.zeros((H // 4,), dtype=jnp.float32)
    W3 = jax.random.normal(ks[7], (H // 4, 1), dtype=jnp.float32) * (1.0 / np.sqrt(H // 4))
    b3 = jnp.zeros((1,), dtype=jnp.float32)
    return {"x": x, "edge_index": edge_index, "batch_ids": batch_ids, "atom_emb": atom_emb,
            "Ws": Ws, "bs": bs, "gammas": gammas, "betas": betas,
            "W1": W1, "b1": b1, "W2": W2, "b2": b2, "W3": W3, "b3": b3}

def reference(x, edge_index, batch_ids, atom_emb, Ws, bs, gammas, betas, W1, b1, W2, b2, W3, b3):
    # AtomEncoder: sum of per-feature embedding lookups
    h = jnp.zeros((N, H), dtype=jnp.float32)
    for f in range(NFEAT):
        h = h + atom_emb[f][x[:, f]]
    # in_feat_dropout with p=0.0 (eval) -> identity
    src = edge_index[0]
    dst = edge_index[1]
    loop = jnp.arange(N)
    src_a = jnp.concatenate([src, loop])
    dst_a = jnp.concatenate([dst, loop])
    deg = jax.ops.segment_sum(jnp.ones((E + N,), dtype=jnp.float32), dst_a, num_segments=N)
    norm = jax.lax.rsqrt(deg)
    coef = (norm[src_a] * norm[dst_a])[:, None]
    for i in range(L):
        identity = h
        # GCNConv-style message passing with symmetric normalization + self-loops
        msg = h[src_a] * coef
        agg = jax.ops.segment_sum(msg, dst_a, num_segments=N)
        h = agg @ Ws[i] + bs[i]
        # BatchNorm1d (batch statistics)
        mean = jnp.mean(h, axis=0)
        var = jnp.var(h, axis=0)
        h = (h - mean) * jax.lax.rsqrt(var + 1e-5) * gammas[i] + betas[i]
        h = jax.nn.relu(h)
        h = h + identity  # residual=True
    # global_mean_pool over graph ids
    sums = jax.ops.segment_sum(h, batch_ids, num_segments=G)
    counts = jax.ops.segment_sum(jnp.ones((N,), dtype=jnp.float32), batch_ids, num_segments=G)
    pooled = sums / jnp.maximum(counts, 1.0)[:, None]
    # MLP [128 -> 64 -> 32 -> 1] with ReLU
    z = jax.nn.relu(pooled @ W1 + b1)
    z = jax.nn.relu(z @ W2 + b2)
    out = z @ W3 + b3
    return out

if __name__ == "__main__":
    import jax
    _d = setup_inputs()
    print(jax.jit(kernel)(*tuple(_d.values())))

</pallas_src>

<mosaic_0001>
#map = affine_map<(d0, d1) -> (0, 0)>
#map1 = affine_map<(d0, d1) -> (0)>
#map2 = affine_map<(d0, d1) -> (0, 0, 0)>
module attributes {stable_mosaic.version = 14 : i64} {
  func.func @_sc_spmm(%arg0: i32, %arg1: i32, %arg2: memref<10240x128xf32, #tpu.memory_space<hbm>>, %arg3: memref<331776xi32, #tpu.memory_space<hbm>>, %arg4: memref<331776xi32, #tpu.memory_space<hbm>>, %arg5: memref<10240x128xf32, #tpu.memory_space<hbm>>, %arg6: memref<2x10240x128xf32, #tpu.memory_space<hbm>>, %arg7: memref<128xi32, #tpu.memory_space<vmem>>, %arg8: memref<128xi32, #tpu.memory_space<vmem>>, %arg9: memref<128x128xf32, #tpu.memory_space<vmem>>, %arg10: memref<10240x128xf32, #tpu.memory_space<vmem_shared>>, %arg11: memref<!tpu.dma_semaphore, #tpu.memory_space<semaphore_mem>>) attributes {dimension_semantics = [#tpu.dimension_semantics<core_parallel>, #tpu.dimension_semantics<subcore_parallel>], iteration_bounds = array<i64: 2, 16>, scalar_prefetch = 0 : i64, scratch_operands = 5 : i64, tpu.core_type = #tpu.core_type<sc_vector_subcore>, window_params = [{transform_indices = #map}, {transform_indices = #map1}, {transform_indices = #map1}, {transform_indices = #map}, {transform_indices = #map2}]} {
    %mul3A = arith.constant 16 : i32
    %mul3A_0 = arith.muli %arg0, %mul3A : i32
    %add3A = arith.addi %mul3A_0, %arg1 : i32
    %mul3A_1 = arith.constant 640 : i32
    %mul3A_2 = arith.muli %arg1, %mul3A_1 : i32
    %mul3A_3 = arith.constant 640 : i32
    %mul3A_4 = arith.muli %arg1, %mul3A_3 : i32
    "tpu.region"() ({
      %run_scoped3A = tpu.sem_alloc : memref<!tpu.dma_semaphore, #tpu.memory_space<semaphore_mem>>
      %dma_start3A = arith.constant 0 : i32
      %dma_start3A_18 = tpu.memref_slice %arg10[%mul3A_4, %dma_start3A] : memref<10240x128xf32, #tpu.memory_space<vmem_shared>> -> memref<640x128xf32, #tpu.memory_space<vmem_shared>>
      %dma_start3A_19 = arith.constant 0 : i32
      %dma_start3A_20 = tpu.memref_slice %arg5[%mul3A_2, %dma_start3A_19] : memref<10240x128xf32, #tpu.memory_space<hbm>> -> memref<640x128xf32, #tpu.memory_space<hbm>>
      tpu.enqueue_dma source(%dma_start3A_20 : memref<640x128xf32, #tpu.memory_space<hbm>>) target(%dma_start3A_18 : memref<640x128xf32, #tpu.memory_space<vmem_shared>>) target_semaphore(%run_scoped3A : memref<!tpu.dma_semaphore, #tpu.memory_space<semaphore_mem>>)
      %dma_wait3A = arith.constant 0 : i32
      %dma_wait3A_21 = tpu.memref_slice %arg10[%mul3A_4, %dma_wait3A] : memref<10240x128xf32, #tpu.memory_space<vmem_shared>> -> memref<640x128xf32, #tpu.memory_space<vmem_shared>>
      %dma_wait3A_22 = arith.constant 0 : i32
      %dma_wait3A_23 = tpu.memref_slice %arg5[%mul3A_2, %dma_wait3A_22] : memref<10240x128xf32, #tpu.memory_space<hbm>> -> memref<640x128xf32, #tpu.memory_space<hbm>>
      tpu.wait_dma2 semaphore(%run_scoped3A : memref<!tpu.dma_semaphore, #tpu.memory_space<semaphore_mem>>) src(%dma_wait3A_23 : memref<640x128xf32, #tpu.memory_space<hbm>>) dst(%dma_wait3A_21 : memref<640x128xf32, #tpu.memory_space<vmem_shared>>)
      tpu.yield
    }) : () -> ()
    %barrier3A = arith.constant 0 : index
    tpu.barrier barrier_id(%barrier3A)
    %mul3A_5 = arith.constant 10368 : i32
    %mul3A_6 = arith.muli %add3A, %mul3A_5 : i32
    %scan3A = arith.constant 0 : i32
    %scan3A_7 = arith.constant 0 : i32
    %scan3A_8 = arith.constant 81 : i32
    %scan3A_9 = arith.addi %scan3A_7, %scan3A_8 : i32
    %scan3A_10 = arith.constant 1 : i32
    %scan3A_11 = scf.for %scan3A_18 = %scan3A_7 to %scan3A_9 step %scan3A_10 iter_args(%scan3A_19 = %scan3A) -> (i32)  : i32 {
      %mul3A_20 = arith.constant 128 : i32
      %mul3A_21 = arith.muli %scan3A_18, %mul3A_20 : i32
      %add3A_22 = arith.addi %mul3A_6, %mul3A_21 : i32
      "tpu.region"() ({
        %run_scoped3A = tpu.sem_alloc : memref<!tpu.dma_semaphore, #tpu.memory_space<semaphore_mem>>
        %dma_start3A_31 = tpu.memref_slice %arg3[%add3A_22] : memref<331776xi32, #tpu.memory_space<hbm>> -> memref<128xi32, #tpu.memory_space<hbm>>
        %dma_start3A_32 = tpu.memref_slice %arg3[%add3A_22] : memref<331776xi32, #tpu.memory_space<hbm>> -> memref<128xi32, #tpu.memory_space<hbm>>
        tpu.enqueue_dma source(%dma_start3A_32 : memref<128xi32, #tpu.memory_space<hbm>>) target(%arg7 : memref<128xi32, #tpu.memory_space<vmem>>) target_semaphore(%run_scoped3A : memref<!tpu.dma_semaphore, #tpu.memory_space<semaphore_mem>>)
        %dma_wait3A_33 = tpu.memref_slice %arg3[%add3A_22] : memref<331776xi32, #tpu.memory_space<hbm>> -> memref<128xi32, #tpu.memory_space<hbm>>
        %dma_wait3A_34 = tpu.memref_slice %arg3[%add3A_22] : memref<331776xi32, #tpu.memory_space<hbm>> -> memref<128xi32, #tpu.memory_space<hbm>>
        tpu.wait_dma2 semaphore(%run_scoped3A : memref<!tpu.dma_semaphore, #tpu.memory_space<semaphore_mem>>) src(%dma_wait3A_34 : memref<128xi32, #tpu.memory_space<hbm>>) dst(%arg7 : memref<128xi32, #tpu.memory_space<vmem>>)
        tpu.yield
      }) : () -> ()
      %mul3A_23 = arith.constant 128 : i32
      %mul3A_24 = arith.muli %scan3A_18, %mul3A_23 : i32
      %add3A_25 = arith.addi %mul3A_6, %mul3A_24 : i32
      "tpu.region"() ({
        %run_scoped3A = tpu.sem_alloc : memref<!tpu.dma_semaphore, #tpu.memory_space<semaphore_mem>>
        %dma_start3A_31 = tpu.memref_slice %arg4[%add3A_25] : memref<331776xi32, #tpu.memory_space<hbm>> -> memref<128xi32, #tpu.memory_space<hbm>>
        %dma_start3A_32 = tpu.memref_slice %arg4[%add3A_25] : memref<331776xi32, #tpu.memory_space<hbm>> -> memref<128xi32, #tpu.memory_space<hbm>>
        tpu.enqueue_dma source(%dma_start3A_32 : memref<128xi32, #tpu.memory_space<hbm>>) target(%arg8 : memref<128xi32, #tpu.memory_space<vmem>>) target_semaphore(%run_scoped3A : memref<!tpu.dma_semaphore, #tpu.memory_space<semaphore_mem>>)
        %dma_wait3A_33 = tpu.memref_slice %arg4[%add3A_25] : memref<331776xi32, #tpu.memory_space<hbm>> -> memref<128xi32, #tpu.memory_space<hbm>>
        %dma_wait3A_34 = tpu.memref_slice %arg4[%add3A_25] : memref<331776xi32, #tpu.memory_space<hbm>> -> memref<128xi32, #tpu.memory_space<hbm>>
        tpu.wait_dma2 semaphore(%run_scoped3A : memref<!tpu.dma_semaphore, #tpu.memory_space<semaphore_mem>>) src(%dma_wait3A_34 : memref<128xi32, #tpu.memory_space<hbm>>) dst(%arg8 : memref<128xi32, #tpu.memory_space<vmem>>)
        tpu.yield
      }) : () -> ()
      %dma_start3A = arith.constant 0 : i32
      %dma_start3A_26 = arith.constant 0 : i32
      %dma_start3A_27 = tpu.memref_slice %arg2[%dma_start3A, %dma_start3A_26] : memref<10240x128xf32, #tpu.memory_space<hbm>> -> memref<10240x128xf32, #tpu.memory_space<hbm>>
      tpu.enqueue_indirect_dma source(%dma_start3A_27 : memref<10240x128xf32, #tpu.memory_space<hbm>>) target(%arg9 : memref<128x128xf32, #tpu.memory_space<vmem>>) offsets(%arg7 : memref<128xi32, #tpu.memory_space<vmem>>) semaphore(%arg11 : memref<!tpu.dma_semaphore, #tpu.memory_space<semaphore_mem>>)
      %dma_wait3A = arith.constant 0 : i32
      %dma_wait3A_28 = arith.constant 0 : i32
      %dma_wait3A_29 = tpu.memref_slice %arg2[%dma_wait3A, %dma_wait3A_28] : memref<10240x128xf32, #tpu.memory_space<hbm>> -> memref<10240x128xf32, #tpu.memory_space<hbm>>
      tpu.wait_indirect_dma semaphore(%arg11 : memref<!tpu.dma_semaphore, #tpu.memory_space<semaphore_mem>>) src(%dma_wait3A_29 : memref<10240x128xf32, #tpu.memory_space<hbm>>) dst(%arg9 : memref<128x128xf32, #tpu.memory_space<vmem>>)
      "tpu.region"() ({
        %run_scoped3A = tpu.sem_alloc : memref<!tpu.dma_semaphore, #tpu.memory_space<semaphore_mem>>
        %dma_start3A_31 = arith.constant 0 : i32
        %dma_start3A_32 = arith.constant 0 : i32
        %dma_start3A_33 = tpu.memref_slice %arg10[%dma_start3A_31, %dma_start3A_32] : memref<10240x128xf32, #tpu.memory_space<vmem_shared>> -> memref<10240x128xf32, #tpu.memory_space<vmem_shared>>
        tpu.enqueue_indirect_dma source(%arg9 : memref<128x128xf32, #tpu.memory_space<vmem>>) target(%dma_start3A_33 : memref<10240x128xf32, #tpu.memory_space<vmem_shared>>) offsets(%arg8 : memref<128xi32, #tpu.memory_space<vmem>>) semaphore(%run_scoped3A : memref<!tpu.dma_semaphore, #tpu.memory_space<semaphore_mem>>) {add = true}
        %dma_wait3A_34 = arith.constant 0 : i32
        %dma_wait3A_35 = arith.constant 0 : i32
        %dma_wait3A_36 = tpu.memref_slice %arg10[%dma_wait3A_34, %dma_wait3A_35] : memref<10240x128xf32, #tpu.memory_space<vmem_shared>> -> memref<10240x128xf32, #tpu.memory_space<vmem_shared>>
        tpu.wait_indirect_dma semaphore(%run_scoped3A : memref<!tpu.dma_semaphore, #tpu.memory_space<semaphore_mem>>) src(%arg9 : memref<128x128xf32, #tpu.memory_space<vmem>>) dst(%dma_wait3A_36 : memref<10240x128xf32, #tpu.memory_space<vmem_shared>>)
        tpu.yield
      }) : () -> ()
      %scan3A_30 = arith.constant 0 : i32
      scf.yield %scan3A_30 : i32
    }
    %scan3A_12 = arith.constant 81 : i32
    %barrier3A_13 = arith.constant 0 : index
    tpu.barrier barrier_id(%barrier3A_13)
    %mul3A_14 = arith.constant 640 : i32
    %mul3A_15 = arith.muli %arg1, %mul3A_14 : i32
    %mul3A_16 = arith.constant 640 : i32
    %mul3A_17 = arith.muli %arg1, %mul3A_16 : i32
    "tpu.region"() ({
      %run_scoped3A = tpu.sem_alloc : memref<!tpu.dma_semaphore, #tpu.memory_space<semaphore_mem>>
      %dma_start3A = arith.constant 0 : i32
      %dma_start3A_18 = tpu.memref_slice %arg6[%arg0, %mul3A_17, %dma_start3A] : memref<2x10240x128xf32, #tpu.memory_space<hbm>> -> memref<1x640x128xf32, #tpu.memory_space<hbm>>
      %dma_start3A_19 = tpu.memref_squeeze %dma_start3A_18 : memref<1x640x128xf32, #tpu.memory_space<hbm>> -> memref<640x128xf32, #tpu.memory_space<hbm>>
      %dma_start3A_20 = arith.constant 0 : i32
      %dma_start3A_21 = tpu.memref_slice %arg10[%mul3A_15, %dma_start3A_20] : memref<10240x128xf32, #tpu.memory_space<vmem_shared>> -> memref<640x128xf32, #tpu.memory_space<vmem_shared>>
      tpu.enqueue_dma source(%dma_start3A_21 : memref<640x128xf32, #tpu.memory_space<vmem_shared>>) target(%dma_start3A_19 : memref<640x128xf32, #tpu.memory_space<hbm>>) target_semaphore(%run_scoped3A : memref<!tpu.dma_semaphore, #tpu.memory_space<semaphore_mem>>)
      %dma_wait3A = arith.constant 0 : i32
      %dma_wait3A_22 = tpu.memref_slice %arg6[%arg0, %mul3A_17, %dma_wait3A] : memref<2x10240x128xf32, #tpu.memory_space<hbm>> -> memref<1x640x128xf32, #tpu.memory_space<hbm>>
      %dma_wait3A_23 = tpu.memref_squeeze %dma_wait3A_22 : memref<1x640x128xf32, #tpu.memory_space<hbm>> -> memref<640x128xf32, #tpu.memory_space<hbm>>
      %dma_wait3A_24 = arith.constant 0 : i32
      %dma_wait3A_25 = tpu.memref_slice %arg10[%mul3A_15, %dma_wait3A_24] : memref<10240x128xf32, #tpu.memory_space<vmem_shared>> -> memref<640x128xf32, #tpu.memory_space<vmem_shared>>
      tpu.wait_dma2 semaphore(%run_scoped3A : memref<!tpu.dma_semaphore, #tpu.memory_space<semaphore_mem>>) src(%dma_wait3A_25 : memref<640x128xf32, #tpu.memory_space<vmem_shared>>) dst(%dma_wait3A_23 : memref<640x128xf32, #tpu.memory_space<hbm>>)
      tpu.yield
    }) : () -> ()
    return
  }
}

#map = affine_map<(d0, d1) -> (0, 0)>
#map1 = affine_map<(d0, d1) -> (0)>
#map2 = affine_map<(d0, d1) -> (0, 0, 0)>
module attributes {stable_mosaic.version = 14 : i64} {
  func.func @_sc_spmm(%arg0: i32, %arg1: i32, %arg2: memref<10240x128xf32, #tpu.memory_space<hbm>>, %arg3: memref<331776xi32, #tpu.memory_space<hbm>>, %arg4: memref<331776xi32, #tpu.memory_space<hbm>>, %arg5: memref<10240x128xf32, #tpu.memory_space<hbm>>, %arg6: memref<2x10240x128xf32, #tpu.memory_space<hbm>>, %arg7: memref<128xi32, #tpu.memory_space<vmem>>, %arg8: memref<128xi32, #tpu.memory_space<vmem>>, %arg9: memref<128x128xf32, #tpu.memory_space<vmem>>, %arg10: memref<10240x128xf32, #tpu.memory_space<vmem_shared>>, %arg11: memref<!tpu.dma_semaphore, #tpu.memory_space<semaphore_mem>>) attributes {dimension_semantics = [#tpu.dimension_semantics<core_parallel>, #tpu.dimension_semantics<subcore_parallel>], iteration_bounds = array<i64: 2, 16>, scalar_prefetch = 0 : i64, scratch_operands = 5 : i64, tpu.core_type = #tpu.core_type<sc_vector_subcore>, window_params = [{transform_indices = #map}, {transform_indices = #map1}, {transform_indices = #map1}, {transform_indices = #map}, {transform_indices = #map2}]} {
    %mul3A = arith.constant 16 : i32
    %mul3A_0 = arith.muli %arg0, %mul3A : i32
    %add3A = arith.addi %mul3A_0, %arg1 : i32
    %mul3A_1 = arith.constant 640 : i32
    %mul3A_2 = arith.muli %arg1, %mul3A_1 : i32
    %mul3A_3 = arith.constant 640 : i32
    %mul3A_4 = arith.muli %arg1, %mul3A_3 : i32
    "tpu.region"() ({
      %run_scoped3A = tpu.sem_alloc : memref<!tpu.dma_semaphore, #tpu.memory_space<semaphore_mem>>
      %dma_start3A = arith.constant 0 : i32
      %dma_start3A_18 = tpu.memref_slice %arg10[%mul3A_4, %dma_start3A] : memref<10240x128xf32, #tpu.memory_space<vmem_shared>> -> memref<640x128xf32, #tpu.memory_space<vmem_shared>>
      %dma_start3A_19 = arith.constant 0 : i32
      %dma_start3A_20 = tpu.memref_slice %arg5[%mul3A_2, %dma_start3A_19] : memref<10240x128xf32, #tpu.memory_space<hbm>> -> memref<640x128xf32, #tpu.memory_space<hbm>>
      tpu.enqueue_dma source(%dma_start3A_20 : memref<640x128xf32, #tpu.memory_space<hbm>>) target(%dma_start3A_18 : memref<640x128xf32, #tpu.memory_space<vmem_shared>>) target_semaphore(%run_scoped3A : memref<!tpu.dma_semaphore, #tpu.memory_space<semaphore_mem>>)
      %dma_wait3A = arith.constant 0 : i32
      %dma_wait3A_21 = tpu.memref_slice %arg10[%mul3A_4, %dma_wait3A] : memref<10240x128xf32, #tpu.memory_space<vmem_shared>> -> memref<640x128xf32, #tpu.memory_space<vmem_shared>>
      %dma_wait3A_22 = arith.constant 0 : i32
      %dma_wait3A_23 = tpu.memref_slice %arg5[%mul3A_2, %dma_wait3A_22] : memref<10240x128xf32, #tpu.memory_space<hbm>> -> memref<640x128xf32, #tpu.memory_space<hbm>>
      tpu.wait_dma2 semaphore(%run_scoped3A : memref<!tpu.dma_semaphore, #tpu.memory_space<semaphore_mem>>) src(%dma_wait3A_23 : memref<640x128xf32, #tpu.memory_space<hbm>>) dst(%dma_wait3A_21 : memref<640x128xf32, #tpu.memory_space<vmem_shared>>)
      tpu.yield
    }) : () -> ()
    %barrier3A = arith.constant 0 : index
    tpu.barrier barrier_id(%barrier3A)
    %mul3A_5 = arith.constant 10368 : i32
    %mul3A_6 = arith.muli %add3A, %mul3A_5 : i32
    %scan3A = arith.constant 0 : i32
    %scan3A_7 = arith.constant 0 : i32
    %scan3A_8 = arith.constant 81 : i32
    %scan3A_9 = arith.addi %scan3A_7, %scan3A_8 : i32
    %scan3A_10 = arith.constant 1 : i32
    %scan3A_11 = scf.for %scan3A_18 = %scan3A_7 to %scan3A_9 step %scan3A_10 iter_args(%scan3A_19 = %scan3A) -> (i32)  : i32 {
      %mul3A_20 = arith.constant 128 : i32
      %mul3A_21 = arith.muli %scan3A_18, %mul3A_20 : i32
      %add3A_22 = arith.addi %mul3A_6, %mul3A_21 : i32
      "tpu.region"() ({
        %run_scoped3A = tpu.sem_alloc : memref<!tpu.dma_semaphore, #tpu.memory_space<semaphore_mem>>
        %dma_start3A_31 = tpu.memref_slice %arg3[%add3A_22] : memref<331776xi32, #tpu.memory_space<hbm>> -> memref<128xi32, #tpu.memory_space<hbm>>
        %dma_start3A_32 = tpu.memref_slice %arg3[%add3A_22] : memref<331776xi32, #tpu.memory_space<hbm>> -> memref<128xi32, #tpu.memory_space<hbm>>
        tpu.enqueue_dma source(%dma_start3A_32 : memref<128xi32, #tpu.memory_space<hbm>>) target(%arg7 : memref<128xi32, #tpu.memory_space<vmem>>) target_semaphore(%run_scoped3A : memref<!tpu.dma_semaphore, #tpu.memory_space<semaphore_mem>>)
        %dma_wait3A_33 = tpu.memref_slice %arg3[%add3A_22] : memref<331776xi32, #tpu.memory_space<hbm>> -> memref<128xi32, #tpu.memory_space<hbm>>
        %dma_wait3A_34 = tpu.memref_slice %arg3[%add3A_22] : memref<331776xi32, #tpu.memory_space<hbm>> -> memref<128xi32, #tpu.memory_space<hbm>>
        tpu.wait_dma2 semaphore(%run_scoped3A : memref<!tpu.dma_semaphore, #tpu.memory_space<semaphore_mem>>) src(%dma_wait3A_34 : memref<128xi32, #tpu.memory_space<hbm>>) dst(%arg7 : memref<128xi32, #tpu.memory_space<vmem>>)
        tpu.yield
      }) : () -> ()
      %mul3A_23 = arith.constant 128 : i32
      %mul3A_24 = arith.muli %scan3A_18, %mul3A_23 : i32
      %add3A_25 = arith.addi %mul3A_6, %mul3A_24 : i32
      "tpu.region"() ({
        %run_scoped3A = tpu.sem_alloc : memref<!tpu.dma_semaphore, #tpu.memory_space<semaphore_mem>>
        %dma_start3A_31 = tpu.memref_slice %arg4[%add3A_25] : memref<331776xi32, #tpu.memory_space<hbm>> -> memref<128xi32, #tpu.memory_space<hbm>>
        %dma_start3A_32 = tpu.memref_slice %arg4[%add3A_25] : memref<331776xi32, #tpu.memory_space<hbm>> -> memref<128xi32, #tpu.memory_space<hbm>>
        tpu.enqueue_dma source(%dma_start3A_32 : memref<128xi32, #tpu.memory_space<hbm>>) target(%arg8 : memref<128xi32, #tpu.memory_space<vmem>>) target_semaphore(%run_scoped3A : memref<!tpu.dma_semaphore, #tpu.memory_space<semaphore_mem>>)
        %dma_wait3A_33 = tpu.memref_slice %arg4[%add3A_25] : memref<331776xi32, #tpu.memory_space<hbm>> -> memref<128xi32, #tpu.memory_space<hbm>>
        %dma_wait3A_34 = tpu.memref_slice %arg4[%add3A_25] : memref<331776xi32, #tpu.memory_space<hbm>> -> memref<128xi32, #tpu.memory_space<hbm>>
        tpu.wait_dma2 semaphore(%run_scoped3A : memref<!tpu.dma_semaphore, #tpu.memory_space<semaphore_mem>>) src(%dma_wait3A_34 : memref<128xi32, #tpu.memory_space<hbm>>) dst(%arg8 : memref<128xi32, #tpu.memory_space<vmem>>)
        tpu.yield
      }) : () -> ()
      %dma_start3A = arith.constant 0 : i32
      %dma_start3A_26 = arith.constant 0 : i32
      %dma_start3A_27 = tpu.memref_slice %arg2[%dma_start3A, %dma_start3A_26] : memref<10240x128xf32, #tpu.memory_space<hbm>> -> memref<10240x128xf32, #tpu.memory_space<hbm>>
      tpu.enqueue_indirect_dma source(%dma_start3A_27 : memref<10240x128xf32, #tpu.memory_space<hbm>>) target(%arg9 : memref<128x128xf32, #tpu.memory_space<vmem>>) offsets(%arg7 : memref<128xi32, #tpu.memory_space<vmem>>) semaphore(%arg11 : memref<!tpu.dma_semaphore, #tpu.memory_space<semaphore_mem>>)
      %dma_wait3A = arith.constant 0 : i32
      %dma_wait3A_28 = arith.constant 0 : i32
      %dma_wait3A_29 = tpu.memref_slice %arg2[%dma_wait3A, %dma_wait3A_28] : memref<10240x128xf32, #tpu.memory_space<hbm>> -> memref<10240x128xf32, #tpu.memory_space<hbm>>
      tpu.wait_indirect_dma semaphore(%arg11 : memref<!tpu.dma_semaphore, #tpu.memory_space<semaphore_mem>>) src(%dma_wait3A_29 : memref<10240x128xf32, #tpu.memory_space<hbm>>) dst(%arg9 : memref<128x128xf32, #tpu.memory_space<vmem>>)
      "tpu.region"() ({
        %run_scoped3A = tpu.sem_alloc : memref<!tpu.dma_semaphore, #tpu.memory_space<semaphore_mem>>
        %dma_start3A_31 = arith.constant 0 : i32
        %dma_start3A_32 = arith.constant 0 : i32
        %dma_start3A_33 = tpu.memref_slice %arg10[%dma_start3A_31, %dma_start3A_32] : memref<10240x128xf32, #tpu.memory_space<vmem_shared>> -> memref<10240x128xf32, #tpu.memory_space<vmem_shared>>
        tpu.enqueue_indirect_dma source(%arg9 : memref<128x128xf32, #tpu.memory_space<vmem>>) target(%dma_start3A_33 : memref<10240x128xf32, #tpu.memory_space<vmem_shared>>) offsets(%arg8 : memref<128xi32, #tpu.memory_space<vmem>>) semaphore(%run_scoped3A : memref<!tpu.dma_semaphore, #tpu.memory_space<semaphore_mem>>) {add = true}
        %dma_wait3A_34 = arith.constant 0 : i32
        %dma_wait3A_35 = arith.constant 0 : i32
        %dma_wait3A_36 = tpu.memref_slice %arg10[%dma_wait3A_34, %dma_wait3A_35] : memref<10240x128xf32, #tpu.memory_space<vmem_shared>> -> memref<10240x128xf32, #tpu.memory_space<vmem_shared>>
        tpu.wait_indirect_dma semaphore(%run_scoped3A : memref<!tpu.dma_semaphore, #tpu.memory_space<semaphore_mem>>) src(%arg9 : memref<128x128xf32, #tpu.memory_space<vmem>>) dst(%dma_wait3A_36 : memref<10240x128xf32, #tpu.memory_space<vmem_shared>>)
        tpu.yield
      }) : () -> ()
      %scan3A_30 = arith.constant 0 : i32
      scf.yield %scan3A_30 : i32
    }
    %scan3A_12 = arith.constant 81 : i32
    %barrier3A_13 = arith.constant 0 : index
    tpu.barrier barrier_id(%barrier3A_13)
    %mul3A_14 = arith.constant 640 : i32
    %mul3A_15 = arith.muli %arg1, %mul3A_14 : i32
    %mul3A_16 = arith.constant 640 : i32
    %mul3A_17 = arith.muli %arg1, %mul3A_16 : i32
    "tpu.region"() ({
      %run_scoped3A = tpu.sem_alloc : memref<!tpu.dma_semaphore, #tpu.memory_space<semaphore_mem>>
      %dma_start3A = arith.constant 0 : i32
      %dma_start3A_18 = tpu.memref_slice %arg6[%arg0, %mul3A_17, %dma_start3A] : memref<2x10240x128xf32, #tpu.memory_space<hbm>> -> memref<1x640x128xf32, #tpu.memory_space<hbm>>
      %dma_start3A_19 = tpu.memref_squeeze %dma_start3A_18 : memref<1x640x128xf32, #tpu.memory_space<hbm>> -> memref<640x128xf32, #tpu.memory_space<hbm>>
      %dma_start3A_20 = arith.constant 0 : i32
      %dma_start3A_21 = tpu.memref_slice %arg10[%mul3A_15, %dma_start3A_20] : memref<10240x128xf32, #tpu.memory_space<vmem_shared>> -> memref<640x128xf32, #tpu.memory_space<vmem_shared>>
      tpu.enqueue_dma source(%dma_start3A_21 : memref<640x128xf32, #tpu.memory_space<vmem_shared>>) target(%dma_start3A_19 : memref<640x128xf32, #tpu.memory_space<hbm>>) target_semaphore(%run_scoped3A : memref<!tpu.dma_semaphore, #tpu.memory_space<semaphore_mem>>)
      %dma_wait3A = arith.constant 0 : i32
      %dma_wait3A_22 = tpu.memref_slice %arg6[%arg0, %mul3A_17, %dma_wait3A] : memref<2x10240x128xf32, #tpu.memory_space<hbm>> -> memref<1x640x128xf32, #tpu.memory_space<hbm>>
      %dma_wait3A_23 = tpu.memref_squeeze %dma_wait3A_22 : memref<1x640x128xf32, #tpu.memory_space<hbm>> -> memref<640x128xf32, #tpu.memory_space<hbm>>
      %dma_wait3A_24 = arith.constant 0 : i32
      %dma_wait3A_25 = tpu.memref_slice %arg10[%mul3A_15, %dma_wait3A_24] : memref<10240x128xf32, #tpu.memory_space<vmem_shared>> -> memref<640x128xf32, #tpu.memory_space<vmem_shared>>
      tpu.wait_dma2 semaphore(%run_scoped3A : memref<!tpu.dma_semaphore, #tpu.memory_space<semaphore_mem>>) src(%dma_wait3A_25 : memref<640x128xf32, #tpu.memory_space<vmem_shared>>) dst(%dma_wait3A_23 : memref<640x128xf32, #tpu.memory_space<hbm>>)
      tpu.yield
    }) : () -> ()
    return
  }
}

#map = affine_map<(d0, d1) -> (0, 0)>
#map1 = affine_map<(d0, d1) -> (0)>
module attributes {stable_mosaic.version = 14 : i64} {
  func.func @_sc_embed_deg(%arg0: i32, %arg1: i32, %arg2: memref<1152x128xf32, #tpu.memory_space<hbm>>, %arg3: memref<92160xi32, #tpu.memory_space<hbm>>, %arg4: memref<331776xi32, #tpu.memory_space<hbm>>, %arg5: memref<10240x128xf32, #tpu.memory_space<hbm>>, %arg6: memref<2x10240xf32, #tpu.memory_space<hbm>>, %arg7: memref<80xi32, #tpu.memory_space<vmem>>, %arg8: memref<80x128xf32, #tpu.memory_space<vmem>>, %arg9: memref<80x128xf32, #tpu.memory_space<vmem>>, %arg10: memref<128xi32, #tpu.memory_space<vmem>>, %arg11: memref<128xf32, #tpu.memory_space<vmem>>, %arg12: memref<640xf32, #tpu.memory_space<vmem>>, %arg13: memref<10240xf32, #tpu.memory_space<vmem_shared>>, %arg14: memref<!tpu.dma_semaphore, #tpu.memory_space<semaphore_mem>>) attributes {dimension_semantics = [#tpu.dimension_semantics<core_parallel>, #tpu.dimension_semantics<subcore_parallel>], iteration_bounds = array<i64: 2, 16>, scalar_prefetch = 0 : i64, scratch_operands = 8 : i64, tpu.core_type = #tpu.core_type<sc_vector_subcore>, window_params = [{transform_indices = #map}, {transform_indices = #map1}, {transform_indices = #map1}, {transform_indices = #map}, {transform_indices = #map}]} {
    %mul3A = arith.constant 16 : i32
    %mul3A_0 = arith.muli %arg0, %mul3A : i32
    %add3A = arith.addi %mul3A_0, %arg1 : i32
    %scan3A = arith.constant 0 : i32
    %scan3A_1 = arith.constant 0 : i32
    %scan3A_2 = arith.constant 40 : i32
    %scan3A_3 = arith.addi %scan3A_1, %scan3A_2 : i32
    %scan3A_4 = arith.constant 1 : i32
    %scan3A_5 = scf.for %scan3A_39 = %scan3A_1 to %scan3A_3 step %scan3A_4 iter_args(%scan3A_40 = %scan3A) -> (i32)  : i32 {
      %broadcast_in_dim3A = arith.constant 0.000000e+00 : f32
      %broadcast_in_dim3A_41 = vector.broadcast %broadcast_in_dim3A : f32 to vector<16xf32>
      %mul3A_42 = arith.constant 16 : i32
      %mul3A_43 = arith.muli %scan3A_39, %mul3A_42 : i32
      %swap3A = arith.index_cast %mul3A_43 : i32 to index
      %swap3A_44 = tpu.vector_load %arg12[%swap3A] {strides = array<i32>} : memref<640xf32, #tpu.memory_space<vmem>>, vector<16xf32>,
      %swap3A_45 = vector.shape_cast %swap3A_44 : vector<16xf32> to vector<16xf32>
      %swap3A_46 = vector.shape_cast %broadcast_in_dim3A_41 : vector<16xf32> to vector<16xf32>
      tpu.vector_store %arg12[%swap3A], %swap3A_46 {strides = array<i32>} : memref<640xf32, #tpu.memory_space<vmem>>, vector<16xf32>,
      %scan3A_47 = arith.constant 0 : i32
      scf.yield %scan3A_47 : i32
    }
    %scan3A_6 = arith.constant 40 : i32
    %scan3A_7 = arith.constant 0 : i32
    %scan3A_8 = arith.constant 0 : i32
    %scan3A_9 = arith.constant 8 : i32
    %scan3A_10 = arith.addi %scan3A_8, %scan3A_9 : i32
    %scan3A_11 = arith.constant 1 : i32
    %scan3A_12 = scf.for %scan3A_39 = %scan3A_8 to %scan3A_10 step %scan3A_11 iter_args(%scan3A_40 = %scan3A_7) -> (i32)  : i32 {
      %broadcast_in_dim3A = arith.constant 1.000000e+00 : f32
      %broadcast_in_dim3A_41 = vector.broadcast %broadcast_in_dim3A : f32 to vector<16xf32>
      %mul3A_42 = arith.constant 16 : i32
      %mul3A_43 = arith.muli %scan3A_39, %mul3A_42 : i32
      %swap3A = arith.index_cast %mul3A_43 : i32 to index
      %swap3A_44 = tpu.vector_load %arg11[%swap3A] {strides = array<i32>} : memref<128xf32, #tpu.memory_space<vmem>>, vector<16xf32>,
      %swap3A_45 = vector.shape_cast %swap3A_44 : vector<16xf32> to vector<16xf32>
      %swap3A_46 = vector.shape_cast %broadcast_in_dim3A_41 : vector<16xf32> to vector<16xf32>
      tpu.vector_store %arg11[%swap3A], %swap3A_46 {strides = array<i32>} : memref<128xf32, #tpu.memory_space<vmem>>, vector<16xf32>,
      %scan3A_47 = arith.constant 0 : i32
      scf.yield %scan3A_47 : i32
    }
    %scan3A_13 = arith.constant 8 : i32
    %mul3A_14 = arith.constant 640 : i32
    %mul3A_15 = arith.muli %arg1, %mul3A_14 : i32
    "tpu.region"() ({
      %run_scoped3A = tpu.sem_alloc : memref<!tpu.dma_semaphore, #tpu.memory_space<semaphore_mem>>
      %dma_start3A = tpu.memref_slice %arg13[%mul3A_15] : memref<10240xf32, #tpu.memory_space<vmem_shared>> -> memref<640xf32, #tpu.memory_space<vmem_shared>>
      %dma_start3A_39 = tpu.memref_slice %arg13[%mul3A_15] : memref<10240xf32, #tpu.memory_space<vmem_shared>> -> memref<640xf32, #tpu.memory_space<vmem_shared>>
      tpu.enqueue_dma source(%arg12 : memref<640xf32, #tpu.memory_space<vmem>>) target(%dma_start3A_39 : memref<640xf32, #tpu.memory_space<vmem_shared>>) target_semaphore(%run_scoped3A : memref<!tpu.dma_semaphore, #tpu.memory_space<semaphore_mem>>)
      %dma_wait3A = tpu.memref_slice %arg13[%mul3A_15] : memref<10240xf32, #tpu.memory_space<vmem_shared>> -> memref<640xf32, #tpu.memory_space<vmem_shared>>
      %dma_wait3A_40 = tpu.memref_slice %arg13[%mul3A_15] : memref<10240xf32, #tpu.memory_space<vmem_shared>> -> memref<640xf32, #tpu.memory_space<vmem_shared>>
      tpu.wait_dma2 semaphore(%run_scoped3A : memref<!tpu.dma_semaphore, #tpu.memory_space<semaphore_mem>>) src(%arg12 : memref<640xf32, #tpu.memory_space<vmem>>) dst(%dma_wait3A_40 : memref<640xf32, #tpu.memory_space<vmem_shared>>)
      tpu.yield
    }) : () -> ()
    %barrier3A = arith.constant 0 : index
    tpu.barrier barrier_id(%barrier3A)
    %mul3A_16 = arith.constant 10368 : i32
    %mul3A_17 = arith.muli %add3A, %mul3A_16 : i32
    %scan3A_18 = arith.constant 0 : i32
    %scan3A_19 = arith.constant 0 : i32
    %scan3A_20 = arith.constant 81 : i32
    %scan3A_21 = arith.addi %scan3A_19, %scan3A_20 : i32
    %scan3A_22 = arith.constant 1 : i32
    %scan3A_23 = scf.for %scan3A_39 = %scan3A_19 to %scan3A_21 step %scan3A_22 iter_args(%scan3A_40 = %scan3A_18) -> (i32)  : i32 {
      %mul3A_41 = arith.constant 128 : i32
      %mul3A_42 = arith.muli %scan3A_39, %mul3A_41 : i32
      %add3A_43 = arith.addi %mul3A_17, %mul3A_42 : i32
      "tpu.region"() ({
        %run_scoped3A = tpu.sem_alloc : memref<!tpu.dma_semaphore, #tpu.memory_space<semaphore_mem>>
        %dma_start3A = tpu.memref_slice %arg4[%add3A_43] : memref<331776xi32, #tpu.memory_space<hbm>> -> memref<128xi32, #tpu.memory_space<hbm>>
        %dma_start3A_45 = tpu.memref_slice %arg4[%add3A_43] : memref<331776xi32, #tpu.memory_space<hbm>> -> memref<128xi32, #tpu.memory_space<hbm>>
        tpu.enqueue_dma source(%dma_start3A_45 : memref<128xi32, #tpu.memory_space<hbm>>) target(%arg10 : memref<128xi32, #tpu.memory_space<vmem>>) target_semaphore(%run_scoped3A : memref<!tpu.dma_semaphore, #tpu.memory_space<semaphore_mem>>)
        %dma_wait3A = tpu.memref_slice %arg4[%add3A_43] : memref<331776xi32, #tpu.memory_space<hbm>> -> memref<128xi32, #tpu.memory_space<hbm>>
        %dma_wait3A_46 = tpu.memref_slice %arg4[%add3A_43] : memref<331776xi32, #tpu.memory_space<hbm>> -> memref<128xi32, #tpu.memory_space<hbm>>
        tpu.wait_dma2 semaphore(%run_scoped3A : memref<!tpu.dma_semaphore, #tpu.memory_space<semaphore_mem>>) src(%dma_wait3A_46 : memref<128xi32, #tpu.memory_space<hbm>>) dst(%arg10 : memref<128xi32, #tpu.memory_space<vmem>>)
        tpu.yield
      }) : () -> ()
      "tpu.region"() ({
        %run_scoped3A = tpu.sem_alloc : memref<!tpu.dma_semaphore, #tpu.memory_space<semaphore_mem>>
        %dma_start3A = arith.constant 0 : i32
        %dma_start3A_45 = tpu.memref_slice %arg13[%dma_start3A] : memref<10240xf32, #tpu.memory_space<vmem_shared>> -> memref<10240xf32, #tpu.memory_space<vmem_shared>>
        tpu.enqueue_indirect_dma source(%arg11 : memref<128xf32, #tpu.memory_space<vmem>>) target(%dma_start3A_45 : memref<10240xf32, #tpu.memory_space<vmem_shared>>) offsets(%arg10 : memref<128xi32, #tpu.memory_space<vmem>>) semaphore(%run_scoped3A : memref<!tpu.dma_semaphore, #tpu.memory_space<semaphore_mem>>) {add = true}
        %dma_wait3A = arith.constant 0 : i32
        %dma_wait3A_46 = tpu.memref_slice %arg13[%dma_wait3A] : memref<10240xf32, #tpu.memory_space<vmem_shared>> -> memref<10240xf32, #tpu.memory_space<vmem_shared>>
        tpu.wait_indirect_dma semaphore(%run_scoped3A : memref<!tpu.dma_semaphore, #tpu.memory_space<semaphore_mem>>) src(%arg11 : memref<128xf32, #tpu.memory_space<vmem>>) dst(%dma_wait3A_46 : memref<10240xf32, #tpu.memory_space<vmem_shared>>)
        tpu.yield
      }) : () -> ()
      %scan3A_44 = arith.constant 0 : i32
      scf.yield %scan3A_44 : i32
    }
    %scan3A_24 = arith.constant 81 : i32
    %mul3A_25 = arith.constant 320 : i32
    %mul3A_26 = arith.muli %add3A, %mul3A_25 : i32
    %scan3A_27 = arith.constant 0 : i32
    %scan3A_28 = arith.constant 0 : i32
    %scan3A_29 = arith.constant 4 : i32
    %scan3A_30 = arith.addi %scan3A_28, %scan3A_29 : i32
    %scan3A_31 = arith.constant 1 : i32
    %scan3A_32 = scf.for %scan3A_39 = %scan3A_28 to %scan3A_30 step %scan3A_31 iter_args(%scan3A_40 = %scan3A_27) -> (i32)  : i32 {
      %mul3A_41 = arith.constant 80 : i32
      %mul3A_42 = arith.muli %scan3A_39, %mul3A_41 : i32
      %add3A_43 = arith.addi %mul3A_26, %mul3A_42 : i32
      "tpu.region"() ({
        %run_scoped3A = tpu.sem_alloc : memref<!tpu.dma_semaphore, #tpu.memory_space<semaphore_mem>>
        %dma_start3A_56 = tpu.memref_slice %arg3[%add3A_43] : memref<92160xi32, #tpu.memory_space<hbm>> -> memref<80xi32, #tpu.memory_space<hbm>>
        %dma_start3A_57 = tpu.memref_slice %arg3[%add3A_43] : memref<92160xi32, #tpu.memory_space<hbm>> -> memref<80xi32, #tpu.memory_space<hbm>>
        tpu.enqueue_dma source(%dma_start3A_57 : memref<80xi32, #tpu.memory_space<hbm>>) target(%arg7 : memref<80xi32, #tpu.memory_space<vmem>>) target_semaphore(%run_scoped3A : memref<!tpu.dma_semaphore, #tpu.memory_space<semaphore_mem>>)
        %dma_wait3A_58 = tpu.memref_slice %arg3[%add3A_43] : memref<92160xi32, #tpu.memory_space<hbm>> -> memref<80xi32, #tpu.memory_space<hbm>>
        %dma_wait3A_59 = tpu.memref_slice %arg3[%add3A_43] : memref<92160xi32, #tpu.memory_space<hbm>> -> memref<80xi32, #tpu.memory_space<hbm>>
        tpu.wait_dma2 semaphore(%run_scoped3A : memref<!tpu.dma_semaphore, #tpu.memory_space<semaphore_mem>>) src(%dma_wait3A_59 : memref<80xi32, #tpu.memory_space<hbm>>) dst(%arg7 : memref<80xi32, #tpu.memory_space<vmem>>)
        tpu.yield
      }) : () -> ()
      %dma_start3A = arith.constant 0 : i32
      %dma_start3A_44 = arith.constant 0 : i32
      %dma_start3A_45 = tpu.memref_slice %arg2[%dma_start3A, %dma_start3A_44] : memref<1152x128xf32, #tpu.memory_space<hbm>> -> memref<1152x128xf32, #tpu.memory_space<hbm>>
      tpu.enqueue_indirect_dma source(%dma_start3A_45 : memref<1152x128xf32, #tpu.memory_space<hbm>>) target(%arg8 : memref<80x128xf32, #tpu.memory_space<vmem>>) offsets(%arg7 : memref<80xi32, #tpu.memory_space<vmem>>) semaphore(%arg14 : memref<!tpu.dma_semaphore, #tpu.memory_space<semaphore_mem>>)
      %dma_wait3A = arith.constant 0 : i32
      %dma_wait3A_46 = arith.constant 0 : i32
      %dma_wait3A_47 = tpu.memref_slice %arg2[%dma_wait3A, %dma_wait3A_46] : memref<1152x128xf32, #tpu.memory_space<hbm>> -> memref<1152x128xf32, #tpu.memory_space<hbm>>
      tpu.wait_indirect_dma semaphore(%arg14 : memref<!tpu.dma_semaphore, #tpu.memory_space<semaphore_mem>>) src(%dma_wait3A_47 : memref<1152x128xf32, #tpu.memory_space<hbm>>) dst(%arg8 : memref<80x128xf32, #tpu.memory_space<vmem>>)
      %scan3A_48 = arith.constant 0 : i32
      %scan3A_49 = arith.constant 1 : i32
      %scan3A_50 = arith.constant 8 : i32
      %scan3A_51 = arith.addi %scan3A_49, %scan3A_50 : i32
      %scan3A_52 = arith.constant 1 : i32
      %scan3A_53 = scf.for %scan3A_56 = %scan3A_49 to %scan3A_51 step %scan3A_52 iter_args(%scan3A_57 = %scan3A_48) -> (i32)  : i32 {
        %mul3A_58 = arith.constant 10240 : i32
        %mul3A_59 = arith.muli %scan3A_56, %mul3A_58 : i32
        %add3A_60 = arith.addi %mul3A_59, %add3A_43 : i32
        "tpu.region"() ({
          %run_scoped3A = tpu.sem_alloc : memref<!tpu.dma_semaphore, #tpu.memory_space<semaphore_mem>>
          %dma_start3A_75 = tpu.memref_slice %arg3[%add3A_60] : memref<92160xi32, #tpu.memory_space<hbm>> -> memref<80xi32, #tpu.memory_space<hbm>>
          %dma_start3A_76 = tpu.memref_slice %arg3[%add3A_60] : memref<92160xi32, #tpu.memory_space<hbm>> -> memref<80xi32, #tpu.memory_space<hbm>>
          tpu.enqueue_dma source(%dma_start3A_76 : memref<80xi32, #tpu.memory_space<hbm>>) target(%arg7 : memref<80xi32, #tpu.memory_space<vmem>>) target_semaphore(%run_scoped3A : memref<!tpu.dma_semaphore, #tpu.memory_space<semaphore_mem>>)
          %dma_wait3A_77 = tpu.memref_slice %arg3[%add3A_60] : memref<92160xi32, #tpu.memory_space<hbm>> -> memref<80xi32, #tpu.memory_space<hbm>>
          %dma_wait3A_78 = tpu.memref_slice %arg3[%add3A_60] : memref<92160xi32, #tpu.memory_space<hbm>> -> memref<80xi32, #tpu.memory_space<hbm>>
          tpu.wait_dma2 semaphore(%run_scoped3A : memref<!tpu.dma_semaphore, #tpu.memory_space<semaphore_mem>>) src(%dma_wait3A_78 : memref<80xi32, #tpu.memory_space<hbm>>) dst(%arg7 : memref<80xi32, #tpu.memory_space<vmem>>)
          tpu.yield
        }) : () -> ()
        %dma_start3A_61 = arith.constant 0 : i32
        %dma_start3A_62 = arith.constant 0 : i32
        %dma_start3A_63 = tpu.memref_slice %arg2[%dma_start3A_61, %dma_start3A_62] : memref<1152x128xf32, #tpu.memory_space<hbm>> -> memref<1152x128xf32, #tpu.memory_space<hbm>>
        tpu.enqueue_indirect_dma source(%dma_start3A_63 : memref<1152x128xf32, #tpu.memory_space<hbm>>) target(%arg9 : memref<80x128xf32, #tpu.memory_space<vmem>>) offsets(%arg7 : memref<80xi32, #tpu.memory_space<vmem>>) semaphore(%arg14 : memref<!tpu.dma_semaphore, #tpu.memory_space<semaphore_mem>>)
        %dma_wait3A_64 = arith.constant 0 : i32
        %dma_wait3A_65 = arith.constant 0 : i32
        %dma_wait3A_66 = tpu.memref_slice %arg2[%dma_wait3A_64, %dma_wait3A_65] : memref<1152x128xf32, #tpu.memory_space<hbm>> -> memref<1152x128xf32, #tpu.memory_space<hbm>>
        tpu.wait_indirect_dma semaphore(%arg14 : memref<!tpu.dma_semaphore, #tpu.memory_space<semaphore_mem>>) src(%dma_wait3A_66 : memref<1152x128xf32, #tpu.memory_space<hbm>>) dst(%arg9 : memref<80x128xf32, #tpu.memory_space<vmem>>)
        %scan3A_67 = arith.constant 0 : i32
        %scan3A_68 = arith.constant 0 : i32
        %scan3A_69 = arith.constant 80 : i32
        %scan3A_70 = arith.addi %scan3A_68, %scan3A_69 : i32
        %scan3A_71 = arith.constant 1 : i32
        %scan3A_72 = scf.for %scan3A_75 = %scan3A_68 to %scan3A_70 step %scan3A_71 iter_args(%scan3A_76 = %scan3A_67) -> (i32)  : i32 {
          %scan3A_77 = arith.constant 0 : i32
          %scan3A_78 = arith.constant 0 : i32
          %scan3A_79 = arith.constant 8 : i32
          %scan3A_80 = arith.addi %scan3A_78, %scan3A_79 : i32
          %scan3A_81 = arith.constant 1 : i32
          %scan3A_82 = scf.for %scan3A_85 = %scan3A_78 to %scan3A_80 step %scan3A_81 iter_args(%scan3A_86 = %scan3A_77) -> (i32)  : i32 {
            %mul3A_87 = arith.constant 16 : i32
            %mul3A_88 = arith.muli %scan3A_85, %mul3A_87 : i32
            %get3A = arith.index_cast %scan3A_75 : i32 to index
            %get3A_89 = arith.index_cast %mul3A_88 : i32 to index
            %get3A_90 = tpu.vector_load %arg8[%get3A, %get3A_89] {strides = array<i32>} : memref<80x128xf32, #tpu.memory_space<vmem>>, vector<1x16xf32>,
            %get3A_91 = vector.shape_cast %get3A_90 : vector<1x16xf32> to vector<16xf32>
            %mul3A_92 = arith.constant 16 : i32
            %mul3A_93 = arith.muli %scan3A_85, %mul3A_92 : i32
            %get3A_94 = arith.index_cast %scan3A_75 : i32 to index
            %get3A_95 = arith.index_cast %mul3A_93 : i32 to index
            %get3A_96 = tpu.vector_load %arg9[%get3A_94, %get3A_95] {strides = array<i32>} : memref<80x128xf32, #tpu.memory_space<vmem>>, vector<1x16xf32>,
            %get3A_97 = vector.shape_cast %get3A_96 : vector<1x16xf32> to vector<16xf32>
            %add3A_98 = arith.addf %get3A_91, %get3A_97 : vector<16xf32>
            %mul3A_99 = arith.constant 16 : i32
            %mul3A_100 = arith.muli %scan3A_85, %mul3A_99 : i32
            %swap3A = arith.index_cast %scan3A_75 : i32 to index
            %swap3A_101 = arith.index_cast %mul3A_100 : i32 to index
            %swap3A_102 = tpu.vector_load %arg8[%swap3A, %swap3A_101] {strides = array<i32>} : memref<80x128xf32, #tpu.memory_space<vmem>>, vector<1x16xf32>,
            %swap3A_103 = vector.shape_cast %swap3A_102 : vector<1x16xf32> to vector<16xf32>
            %swap3A_104 = vector.shape_cast %add3A_98 : vector<16xf32> to vector<1x16xf32>
            tpu.vector_store %arg8[%swap3A, %swap3A_101], %swap3A_104 {strides = array<i32>} : memref<80x128xf32, #tpu.memory_space<vmem>>, vector<1x16xf32>,
            %scan3A_105 = arith.constant 0 : i32
            scf.yield %scan3A_105 : i32
          }
          %scan3A_83 = arith.constant 8 : i32
          %scan3A_84 = arith.constant 0 : i32
          scf.yield %scan3A_84 : i32
        }
        %scan3A_73 = arith.constant 80 : i32
        %scan3A_74 = arith.constant 0 : i32
        scf.yield %scan3A_74 : i32
      }
      %scan3A_54 = arith.constant 8 : i32
      "tpu.region"() ({
        %run_scoped3A = tpu.sem_alloc : memref<!tpu.dma_semaphore, #tpu.memory_space<semaphore_mem>>
        %dma_start3A_56 = arith.constant 0 : i32
        %dma_start3A_57 = tpu.memref_slice %arg5[%add3A_43, %dma_start3A_56] : memref<10240x128xf32, #tpu.memory_space<hbm>> -> memref<80x128xf32, #tpu.memory_space<hbm>>
        %dma_start3A_58 = arith.constant 0 : i32
        %dma_start3A_59 = tpu.memref_slice %arg5[%add3A_43, %dma_start3A_58] : memref<10240x128xf32, #tpu.memory_space<hbm>> -> memref<80x128xf32, #tpu.memory_space<hbm>>
        tpu.enqueue_dma source(%arg8 : memref<80x128xf32, #tpu.memory_space<vmem>>) target(%dma_start3A_59 : memref<80x128xf32, #tpu.memory_space<hbm>>) target_semaphore(%run_scoped3A : memref<!tpu.dma_semaphore, #tpu.memory_space<semaphore_mem>>)
        %dma_wait3A_60 = arith.constant 0 : i32
        %dma_wait3A_61 = tpu.memref_slice %arg5[%add3A_43, %dma_wait3A_60] : memref<10240x128xf32, #tpu.memory_space<hbm>> -> memref<80x128xf32, #tpu.memory_space<hbm>>
        %dma_wait3A_62 = arith.constant 0 : i32
        %dma_wait3A_63 = tpu.memref_slice %arg5[%add3A_43, %dma_wait3A_62] : memref<10240x128xf32, #tpu.memory_space<hbm>> -> memref<80x128xf32, #tpu.memory_space<hbm>>
        tpu.wait_dma2 semaphore(%run_scoped3A : memref<!tpu.dma_semaphore, #tpu.memory_space<semaphore_mem>>) src(%arg8 : memref<80x128xf32, #tpu.memory_space<vmem>>) dst(%dma_wait3A_63 : memref<80x128xf32, #tpu.memory_space<hbm>>)
        tpu.yield
      }) : () -> ()
      %scan3A_55 = arith.constant 0 : i32
      scf.yield %scan3A_55 : i32
    }
    %scan3A_33 = arith.constant 4 : i32
    %barrier3A_34 = arith.constant 0 : index
    tpu.barrier barrier_id(%barrier3A_34)
    %mul3A_35 = arith.constant 640 : i32
    %mul3A_36 = arith.muli %arg1, %mul3A_35 : i32
    %mul3A_37 = arith.constant 640 : i32
    %mul3A_38 = arith.muli %arg1, %mul3A_37 : i32
    "tpu.region"() ({
      %run_scoped3A = tpu.sem_alloc : memref<!tpu.dma_semaphore, #tpu.memory_space<semaphore_mem>>
      %dma_start3A = tpu.memref_slice %arg6[%arg0, %mul3A_38] : memref<2x10240xf32, #tpu.memory_space<hbm>> -> memref<1x640xf32, #tpu.memory_space<hbm>>
      %dma_start3A_39 = tpu.memref_squeeze %dma_start3A : memref<1x640xf32, #tpu.memory_space<hbm>> -> memref<640xf32, #tpu.memory_space<hbm>>
      %dma_start3A_40 = tpu.memref_slice %arg13[%mul3A_36] : memref<10240xf32, #tpu.memory_space<vmem_shared>> -> memref<640xf32, #tpu.memory_space<vmem_shared>>
      tpu.enqueue_dma source(%dma_start3A_40 : memref<640xf32, #tpu.memory_space<vmem_shared>>) target(%dma_start3A_39 : memref<640xf32, #tpu.memory_space<hbm>>) target_semaphore(%run_scoped3A : memref<!tpu.dma_semaphore, #tpu.memory_space<semaphore_mem>>)
      %dma_wait3A = tpu.memref_slice %arg6[%arg0, %mul3A_38] : memref<2x10240xf32, #tpu.memory_space<hbm>> -> memref<1x640xf32, #tpu.memory_space<hbm>>
      %dma_wait3A_41 = tpu.memref_squeeze %dma_wait3A : memref<1x640xf32, #tpu.memory_space<hbm>> -> memref<640xf32, #tpu.memory_space<hbm>>
      %dma_wait3A_42 = tpu.memref_slice %arg13[%mul3A_36] : memref<10240xf32, #tpu.memory_space<vmem_shared>> -> memref<640xf32, #tpu.memory_space<vmem_shared>>
      tpu.wait_dma2 semaphore(%run_scoped3A : memref<!tpu.dma_semaphore, #tpu.memory_space<semaphore_mem>>) src(%dma_wait3A_42 : memref<640xf32, #tpu.memory_space<vmem_shared>>) dst(%dma_wait3A_41 : memref<640xf32, #tpu.memory_space<hbm>>)
      tpu.yield
    }) : () -> ()
    return
  }
}

#map = affine_map<(d0, d1) -> (0, 0)>
#map1 = affine_map<(d0, d1) -> (0)>
#map2 = affine_map<(d0, d1) -> (0, 0, 0)>
module attributes {stable_mosaic.version = 14 : i64} {
  func.func @_sc_spmm(%arg0: i32, %arg1: i32, %arg2: memref<10240x128xf32, #tpu.memory_space<hbm>>, %arg3: memref<331776xi32, #tpu.memory_space<hbm>>, %arg4: memref<331776xi32, #tpu.memory_space<hbm>>, %arg5: memref<10240x128xf32, #tpu.memory_space<hbm>>, %arg6: memref<2x10240x128xf32, #tpu.memory_space<hbm>>, %arg7: memref<128xi32, #tpu.memory_space<vmem>>, %arg8: memref<128xi32, #tpu.memory_space<vmem>>, %arg9: memref<128x128xf32, #tpu.memory_space<vmem>>, %arg10: memref<10240x128xf32, #tpu.memory_space<vmem_shared>>, %arg11: memref<!tpu.dma_semaphore, #tpu.memory_space<semaphore_mem>>) attributes {dimension_semantics = [#tpu.dimension_semantics<core_parallel>, #tpu.dimension_semantics<subcore_parallel>], iteration_bounds = array<i64: 2, 16>, scalar_prefetch = 0 : i64, scratch_operands = 5 : i64, tpu.core_type = #tpu.core_type<sc_vector_subcore>, window_params = [{transform_indices = #map}, {transform_indices = #map1}, {transform_indices = #map1}, {transform_indices = #map}, {transform_indices = #map2}]} {
    %mul3A = arith.constant 16 : i32
    %mul3A_0 = arith.muli %arg0, %mul3A : i32
    %add3A = arith.addi %mul3A_0, %arg1 : i32
    %mul3A_1 = arith.constant 640 : i32
    %mul3A_2 = arith.muli %arg1, %mul3A_1 : i32
    %mul3A_3 = arith.constant 640 : i32
    %mul3A_4 = arith.muli %arg1, %mul3A_3 : i32
    "tpu.region"() ({
      %run_scoped3A = tpu.sem_alloc : memref<!tpu.dma_semaphore, #tpu.memory_space<semaphore_mem>>
      %dma_start3A = arith.constant 0 : i32
      %dma_start3A_18 = tpu.memref_slice %arg10[%mul3A_4, %dma_start3A] : memref<10240x128xf32, #tpu.memory_space<vmem_shared>> -> memref<640x128xf32, #tpu.memory_space<vmem_shared>>
      %dma_start3A_19 = arith.constant 0 : i32
      %dma_start3A_20 = tpu.memref_slice %arg5[%mul3A_2, %dma_start3A_19] : memref<10240x128xf32, #tpu.memory_space<hbm>> -> memref<640x128xf32, #tpu.memory_space<hbm>>
      tpu.enqueue_dma source(%dma_start3A_20 : memref<640x128xf32, #tpu.memory_space<hbm>>) target(%dma_start3A_18 : memref<640x128xf32, #tpu.memory_space<vmem_shared>>) target_semaphore(%run_scoped3A : memref<!tpu.dma_semaphore, #tpu.memory_space<semaphore_mem>>)
      %dma_wait3A = arith.constant 0 : i32
      %dma_wait3A_21 = tpu.memref_slice %arg10[%mul3A_4, %dma_wait3A] : memref<10240x128xf32, #tpu.memory_space<vmem_shared>> -> memref<640x128xf32, #tpu.memory_space<vmem_shared>>
      %dma_wait3A_22 = arith.constant 0 : i32
      %dma_wait3A_23 = tpu.memref_slice %arg5[%mul3A_2, %dma_wait3A_22] : memref<10240x128xf32, #tpu.memory_space<hbm>> -> memref<640x128xf32, #tpu.memory_space<hbm>>
      tpu.wait_dma2 semaphore(%run_scoped3A : memref<!tpu.dma_semaphore, #tpu.memory_space<semaphore_mem>>) src(%dma_wait3A_23 : memref<640x128xf32, #tpu.memory_space<hbm>>) dst(%dma_wait3A_21 : memref<640x128xf32, #tpu.memory_space<vmem_shared>>)
      tpu.yield
    }) : () -> ()
    %barrier3A = arith.constant 0 : index
    tpu.barrier barrier_id(%barrier3A)
    %mul3A_5 = arith.constant 10368 : i32
    %mul3A_6 = arith.muli %add3A, %mul3A_5 : i32
    %scan3A = arith.constant 0 : i32
    %scan3A_7 = arith.constant 0 : i32
    %scan3A_8 = arith.constant 81 : i32
    %scan3A_9 = arith.addi %scan3A_7, %scan3A_8 : i32
    %scan3A_10 = arith.constant 1 : i32
    %scan3A_11 = scf.for %scan3A_18 = %scan3A_7 to %scan3A_9 step %scan3A_10 iter_args(%scan3A_19 = %scan3A) -> (i32)  : i32 {
      %mul3A_20 = arith.constant 128 : i32
      %mul3A_21 = arith.muli %scan3A_18, %mul3A_20 : i32
      %add3A_22 = arith.addi %mul3A_6, %mul3A_21 : i32
      "tpu.region"() ({
        %run_scoped3A = tpu.sem_alloc : memref<!tpu.dma_semaphore, #tpu.memory_space<semaphore_mem>>
        %dma_start3A_31 = tpu.memref_slice %arg3[%add3A_22] : memref<331776xi32, #tpu.memory_space<hbm>> -> memref<128xi32, #tpu.memory_space<hbm>>
        %dma_start3A_32 = tpu.memref_slice %arg3[%add3A_22] : memref<331776xi32, #tpu.memory_space<hbm>> -> memref<128xi32, #tpu.memory_space<hbm>>
        tpu.enqueue_dma source(%dma_start3A_32 : memref<128xi32, #tpu.memory_space<hbm>>) target(%arg7 : memref<128xi32, #tpu.memory_space<vmem>>) target_semaphore(%run_scoped3A : memref<!tpu.dma_semaphore, #tpu.memory_space<semaphore_mem>>)
        %dma_wait3A_33 = tpu.memref_slice %arg3[%add3A_22] : memref<331776xi32, #tpu.memory_space<hbm>> -> memref<128xi32, #tpu.memory_space<hbm>>
        %dma_wait3A_34 = tpu.memref_slice %arg3[%add3A_22] : memref<331776xi32, #tpu.memory_space<hbm>> -> memref<128xi32, #tpu.memory_space<hbm>>
        tpu.wait_dma2 semaphore(%run_scoped3A : memref<!tpu.dma_semaphore, #tpu.memory_space<semaphore_mem>>) src(%dma_wait3A_34 : memref<128xi32, #tpu.memory_space<hbm>>) dst(%arg7 : memref<128xi32, #tpu.memory_space<vmem>>)
        tpu.yield
      }) : () -> ()
      %mul3A_23 = arith.constant 128 : i32
      %mul3A_24 = arith.muli %scan3A_18, %mul3A_23 : i32
      %add3A_25 = arith.addi %mul3A_6, %mul3A_24 : i32
      "tpu.region"() ({
        %run_scoped3A = tpu.sem_alloc : memref<!tpu.dma_semaphore, #tpu.memory_space<semaphore_mem>>
        %dma_start3A_31 = tpu.memref_slice %arg4[%add3A_25] : memref<331776xi32, #tpu.memory_space<hbm>> -> memref<128xi32, #tpu.memory_space<hbm>>
        %dma_start3A_32 = tpu.memref_slice %arg4[%add3A_25] : memref<331776xi32, #tpu.memory_space<hbm>> -> memref<128xi32, #tpu.memory_space<hbm>>
        tpu.enqueue_dma source(%dma_start3A_32 : memref<128xi32, #tpu.memory_space<hbm>>) target(%arg8 : memref<128xi32, #tpu.memory_space<vmem>>) target_semaphore(%run_scoped3A : memref<!tpu.dma_semaphore, #tpu.memory_space<semaphore_mem>>)
        %dma_wait3A_33 = tpu.memref_slice %arg4[%add3A_25] : memref<331776xi32, #tpu.memory_space<hbm>> -> memref<128xi32, #tpu.memory_space<hbm>>
        %dma_wait3A_34 = tpu.memref_slice %arg4[%add3A_25] : memref<331776xi32, #tpu.memory_space<hbm>> -> memref<128xi32, #tpu.memory_space<hbm>>
        tpu.wait_dma2 semaphore(%run_scoped3A : memref<!tpu.dma_semaphore, #tpu.memory_space<semaphore_mem>>) src(%dma_wait3A_34 : memref<128xi32, #tpu.memory_space<hbm>>) dst(%arg8 : memref<128xi32, #tpu.memory_space<vmem>>)
        tpu.yield
      }) : () -> ()
      %dma_start3A = arith.constant 0 : i32
      %dma_start3A_26 = arith.constant 0 : i32
      %dma_start3A_27 = tpu.memref_slice %arg2[%dma_start3A, %dma_start3A_26] : memref<10240x128xf32, #tpu.memory_space<hbm>> -> memref<10240x128xf32, #tpu.memory_space<hbm>>
      tpu.enqueue_indirect_dma source(%dma_start3A_27 : memref<10240x128xf32, #tpu.memory_space<hbm>>) target(%arg9 : memref<128x128xf32, #tpu.memory_space<vmem>>) offsets(%arg7 : memref<128xi32, #tpu.memory_space<vmem>>) semaphore(%arg11 : memref<!tpu.dma_semaphore, #tpu.memory_space<semaphore_mem>>)
      %dma_wait3A = arith.constant 0 : i32
      %dma_wait3A_28 = arith.constant 0 : i32
      %dma_wait3A_29 = tpu.memref_slice %arg2[%dma_wait3A, %dma_wait3A_28] : memref<10240x128xf32, #tpu.memory_space<hbm>> -> memref<10240x128xf32, #tpu.memory_space<hbm>>
      tpu.wait_indirect_dma semaphore(%arg11 : memref<!tpu.dma_semaphore, #tpu.memory_space<semaphore_mem>>) src(%dma_wait3A_29 : memref<10240x128xf32, #tpu.memory_space<hbm>>) dst(%arg9 : memref<128x128xf32, #tpu.memory_space<vmem>>)
      "tpu.region"() ({
        %run_scoped3A = tpu.sem_alloc : memref<!tpu.dma_semaphore, #tpu.memory_space<semaphore_mem>>
        %dma_start3A_31 = arith.constant 0 : i32
        %dma_start3A_32 = arith.constant 0 : i32
        %dma_start3A_33 = tpu.memref_slice %arg10[%dma_start3A_31, %dma_start3A_32] : memref<10240x128xf32, #tpu.memory_space<vmem_shared>> -> memref<10240x128xf32, #tpu.memory_space<vmem_shared>>
        tpu.enqueue_indirect_dma source(%arg9 : memref<128x128xf32, #tpu.memory_space<vmem>>) target(%dma_start3A_33 : memref<10240x128xf32, #tpu.memory_space<vmem_shared>>) offsets(%arg8 : memref<128xi32, #tpu.memory_space<vmem>>) semaphore(%run_scoped3A : memref<!tpu.dma_semaphore, #tpu.memory_space<semaphore_mem>>) {add = true}
        %dma_wait3A_34 = arith.constant 0 : i32
        %dma_wait3A_35 = arith.constant 0 : i32
        %dma_wait3A_36 = tpu.memref_slice %arg10[%dma_wait3A_34, %dma_wait3A_35] : memref<10240x128xf32, #tpu.memory_space<vmem_shared>> -> memref<10240x128xf32, #tpu.memory_space<vmem_shared>>
        tpu.wait_indirect_dma semaphore(%run_scoped3A : memref<!tpu.dma_semaphore, #tpu.memory_space<semaphore_mem>>) src(%arg9 : memref<128x128xf32, #tpu.memory_space<vmem>>) dst(%dma_wait3A_36 : memref<10240x128xf32, #tpu.memory_space<vmem_shared>>)
        tpu.yield
      }) : () -> ()
      %scan3A_30 = arith.constant 0 : i32
      scf.yield %scan3A_30 : i32
    }
    %scan3A_12 = arith.constant 81 : i32
    %barrier3A_13 = arith.constant 0 : index
    tpu.barrier barrier_id(%barrier3A_13)
    %mul3A_14 = arith.constant 640 : i32
    %mul3A_15 = arith.muli %arg1, %mul3A_14 : i32
    %mul3A_16 = arith.constant 640 : i32
    %mul3A_17 = arith.muli %arg1, %mul3A_16 : i32
    "tpu.region"() ({
      %run_scoped3A = tpu.sem_alloc : memref<!tpu.dma_semaphore, #tpu.memory_space<semaphore_mem>>
      %dma_start3A = arith.constant 0 : i32
      %dma_start3A_18 = tpu.memref_slice %arg6[%arg0, %mul3A_17, %dma_start3A] : memref<2x10240x128xf32, #tpu.memory_space<hbm>> -> memref<1x640x128xf32, #tpu.memory_space<hbm>>
      %dma_start3A_19 = tpu.memref_squeeze %dma_start3A_18 : memref<1x640x128xf32, #tpu.memory_space<hbm>> -> memref<640x128xf32, #tpu.memory_space<hbm>>
      %dma_start3A_20 = arith.constant 0 : i32
      %dma_start3A_21 = tpu.memref_slice %arg10[%mul3A_15, %dma_start3A_20] : memref<10240x128xf32, #tpu.memory_space<vmem_shared>> -> memref<640x128xf32, #tpu.memory_space<vmem_shared>>
      tpu.enqueue_dma source(%dma_start3A_21 : memref<640x128xf32, #tpu.memory_space<vmem_shared>>) target(%dma_start3A_19 : memref<640x128xf32, #tpu.memory_space<hbm>>) target_semaphore(%run_scoped3A : memref<!tpu.dma_semaphore, #tpu.memory_space<semaphore_mem>>)
      %dma_wait3A = arith.constant 0 : i32
      %dma_wait3A_22 = tpu.memref_slice %arg6[%arg0, %mul3A_17, %dma_wait3A] : memref<2x10240x128xf32, #tpu.memory_space<hbm>> -> memref<1x640x128xf32, #tpu.memory_space<hbm>>
      %dma_wait3A_23 = tpu.memref_squeeze %dma_wait3A_22 : memref<1x640x128xf32, #tpu.memory_space<hbm>> -> memref<640x128xf32, #tpu.memory_space<hbm>>
      %dma_wait3A_24 = arith.constant 0 : i32
      %dma_wait3A_25 = tpu.memref_slice %arg10[%mul3A_15, %dma_wait3A_24] : memref<10240x128xf32, #tpu.memory_space<vmem_shared>> -> memref<640x128xf32, #tpu.memory_space<vmem_shared>>
      tpu.wait_dma2 semaphore(%run_scoped3A : memref<!tpu.dma_semaphore, #tpu.memory_space<semaphore_mem>>) src(%dma_wait3A_25 : memref<640x128xf32, #tpu.memory_space<vmem_shared>>) dst(%dma_wait3A_23 : memref<640x128xf32, #tpu.memory_space<hbm>>)
      tpu.yield
    }) : () -> ()
    return
  }
}

#map = affine_map<(d0, d1) -> (0, 0)>
#map1 = affine_map<(d0, d1) -> (0)>
#map2 = affine_map<(d0, d1) -> (0, 0, 0)>
module attributes {stable_mosaic.version = 14 : i64} {
  func.func @_sc_spmm(%arg0: i32, %arg1: i32, %arg2: memref<10240x128xf32, #tpu.memory_space<hbm>>, %arg3: memref<331776xi32, #tpu.memory_space<hbm>>, %arg4: memref<331776xi32, #tpu.memory_space<hbm>>, %arg5: memref<10240x128xf32, #tpu.memory_space<hbm>>, %arg6: memref<2x10240x128xf32, #tpu.memory_space<hbm>>, %arg7: memref<128xi32, #tpu.memory_space<vmem>>, %arg8: memref<128xi32, #tpu.memory_space<vmem>>, %arg9: memref<128x128xf32, #tpu.memory_space<vmem>>, %arg10: memref<10240x128xf32, #tpu.memory_space<vmem_shared>>, %arg11: memref<!tpu.dma_semaphore, #tpu.memory_space<semaphore_mem>>) attributes {dimension_semantics = [#tpu.dimension_semantics<core_parallel>, #tpu.dimension_semantics<subcore_parallel>], iteration_bounds = array<i64: 2, 16>, scalar_prefetch = 0 : i64, scratch_operands = 5 : i64, tpu.core_type = #tpu.core_type<sc_vector_subcore>, window_params = [{transform_indices = #map}, {transform_indices = #map1}, {transform_indices = #map1}, {transform_indices = #map}, {transform_indices = #map2}]} {
    %mul3A = arith.constant 16 : i32
    %mul3A_0 = arith.muli %arg0, %mul3A : i32
    %add3A = arith.addi %mul3A_0, %arg1 : i32
    %mul3A_1 = arith.constant 640 : i32
    %mul3A_2 = arith.muli %arg1, %mul3A_1 : i32
    %mul3A_3 = arith.constant 640 : i32
    %mul3A_4 = arith.muli %arg1, %mul3A_3 : i32
    "tpu.region"() ({
      %run_scoped3A = tpu.sem_alloc : memref<!tpu.dma_semaphore, #tpu.memory_space<semaphore_mem>>
      %dma_start3A = arith.constant 0 : i32
      %dma_start3A_18 = tpu.memref_slice %arg10[%mul3A_4, %dma_start3A] : memref<10240x128xf32, #tpu.memory_space<vmem_shared>> -> memref<640x128xf32, #tpu.memory_space<vmem_shared>>
      %dma_start3A_19 = arith.constant 0 : i32
      %dma_start3A_20 = tpu.memref_slice %arg5[%mul3A_2, %dma_start3A_19] : memref<10240x128xf32, #tpu.memory_space<hbm>> -> memref<640x128xf32, #tpu.memory_space<hbm>>
      tpu.enqueue_dma source(%dma_start3A_20 : memref<640x128xf32, #tpu.memory_space<hbm>>) target(%dma_start3A_18 : memref<640x128xf32, #tpu.memory_space<vmem_shared>>) target_semaphore(%run_scoped3A : memref<!tpu.dma_semaphore, #tpu.memory_space<semaphore_mem>>)
      %dma_wait3A = arith.constant 0 : i32
      %dma_wait3A_21 = tpu.memref_slice %arg10[%mul3A_4, %dma_wait3A] : memref<10240x128xf32, #tpu.memory_space<vmem_shared>> -> memref<640x128xf32, #tpu.memory_space<vmem_shared>>
      %dma_wait3A_22 = arith.constant 0 : i32
      %dma_wait3A_23 = tpu.memref_slice %arg5[%mul3A_2, %dma_wait3A_22] : memref<10240x128xf32, #tpu.memory_space<hbm>> -> memref<640x128xf32, #tpu.memory_space<hbm>>
      tpu.wait_dma2 semaphore(%run_scoped3A : memref<!tpu.dma_semaphore, #tpu.memory_space<semaphore_mem>>) src(%dma_wait3A_23 : memref<640x128xf32, #tpu.memory_space<hbm>>) dst(%dma_wait3A_21 : memref<640x128xf32, #tpu.memory_space<vmem_shared>>)
      tpu.yield
    }) : () -> ()
    %barrier3A = arith.constant 0 : index
    tpu.barrier barrier_id(%barrier3A)
    %mul3A_5 = arith.constant 10368 : i32
    %mul3A_6 = arith.muli %add3A, %mul3A_5 : i32
    %scan3A = arith.constant 0 : i32
    %scan3A_7 = arith.constant 0 : i32
    %scan3A_8 = arith.constant 81 : i32
    %scan3A_9 = arith.addi %scan3A_7, %scan3A_8 : i32
    %scan3A_10 = arith.constant 1 : i32
    %scan3A_11 = scf.for %scan3A_18 = %scan3A_7 to %scan3A_9 step %scan3A_10 iter_args(%scan3A_19 = %scan3A) -> (i32)  : i32 {
      %mul3A_20 = arith.constant 128 : i32
      %mul3A_21 = arith.muli %scan3A_18, %mul3A_20 : i32
      %add3A_22 = arith.addi %mul3A_6, %mul3A_21 : i32
      "tpu.region"() ({
        %run_scoped3A = tpu.sem_alloc : memref<!tpu.dma_semaphore, #tpu.memory_space<semaphore_mem>>
        %dma_start3A_31 = tpu.memref_slice %arg3[%add3A_22] : memref<331776xi32, #tpu.memory_space<hbm>> -> memref<128xi32, #tpu.memory_space<hbm>>
        %dma_start3A_32 = tpu.memref_slice %arg3[%add3A_22] : memref<331776xi32, #tpu.memory_space<hbm>> -> memref<128xi32, #tpu.memory_space<hbm>>
        tpu.enqueue_dma source(%dma_start3A_32 : memref<128xi32, #tpu.memory_space<hbm>>) target(%arg7 : memref<128xi32, #tpu.memory_space<vmem>>) target_semaphore(%run_scoped3A : memref<!tpu.dma_semaphore, #tpu.memory_space<semaphore_mem>>)
        %dma_wait3A_33 = tpu.memref_slice %arg3[%add3A_22] : memref<331776xi32, #tpu.memory_space<hbm>> -> memref<128xi32, #tpu.memory_space<hbm>>
        %dma_wait3A_34 = tpu.memref_slice %arg3[%add3A_22] : memref<331776xi32, #tpu.memory_space<hbm>> -> memref<128xi32, #tpu.memory_space<hbm>>
        tpu.wait_dma2 semaphore(%run_scoped3A : memref<!tpu.dma_semaphore, #tpu.memory_space<semaphore_mem>>) src(%dma_wait3A_34 : memref<128xi32, #tpu.memory_space<hbm>>) dst(%arg7 : memref<128xi32, #tpu.memory_space<vmem>>)
        tpu.yield
      }) : () -> ()
      %mul3A_23 = arith.constant 128 : i32
      %mul3A_24 = arith.muli %scan3A_18, %mul3A_23 : i32
      %add3A_25 = arith.addi %mul3A_6, %mul3A_24 : i32
      "tpu.region"() ({
        %run_scoped3A = tpu.sem_alloc : memref<!tpu.dma_semaphore, #tpu.memory_space<semaphore_mem>>
        %dma_start3A_31 = tpu.memref_slice %arg4[%add3A_25] : memref<331776xi32, #tpu.memory_space<hbm>> -> memref<128xi32, #tpu.memory_space<hbm>>
        %dma_start3A_32 = tpu.memref_slice %arg4[%add3A_25] : memref<331776xi32, #tpu.memory_space<hbm>> -> memref<128xi32, #tpu.memory_space<hbm>>
        tpu.enqueue_dma source(%dma_start3A_32 : memref<128xi32, #tpu.memory_space<hbm>>) target(%arg8 : memref<128xi32, #tpu.memory_space<vmem>>) target_semaphore(%run_scoped3A : memref<!tpu.dma_semaphore, #tpu.memory_space<semaphore_mem>>)
        %dma_wait3A_33 = tpu.memref_slice %arg4[%add3A_25] : memref<331776xi32, #tpu.memory_space<hbm>> -> memref<128xi32, #tpu.memory_space<hbm>>
        %dma_wait3A_34 = tpu.memref_slice %arg4[%add3A_25] : memref<331776xi32, #tpu.memory_space<hbm>> -> memref<128xi32, #tpu.memory_space<hbm>>
        tpu.wait_dma2 semaphore(%run_scoped3A : memref<!tpu.dma_semaphore, #tpu.memory_space<semaphore_mem>>) src(%dma_wait3A_34 : memref<128xi32, #tpu.memory_space<hbm>>) dst(%arg8 : memref<128xi32, #tpu.memory_space<vmem>>)
        tpu.yield
      }) : () -> ()
      %dma_start3A = arith.constant 0 : i32
      %dma_start3A_26 = arith.constant 0 : i32
      %dma_start3A_27 = tpu.memref_slice %arg2[%dma_start3A, %dma_start3A_26] : memref<10240x128xf32, #tpu.memory_space<hbm>> -> memref<10240x128xf32, #tpu.memory_space<hbm>>
      tpu.enqueue_indirect_dma source(%dma_start3A_27 : memref<10240x128xf32, #tpu.memory_space<hbm>>) target(%arg9 : memref<128x128xf32, #tpu.memory_space<vmem>>) offsets(%arg7 : memref<128xi32, #tpu.memory_space<vmem>>) semaphore(%arg11 : memref<!tpu.dma_semaphore, #tpu.memory_space<semaphore_mem>>)
      %dma_wait3A = arith.constant 0 : i32
      %dma_wait3A_28 = arith.constant 0 : i32
      %dma_wait3A_29 = tpu.memref_slice %arg2[%dma_wait3A, %dma_wait3A_28] : memref<10240x128xf32, #tpu.memory_space<hbm>> -> memref<10240x128xf32, #tpu.memory_space<hbm>>
      tpu.wait_indirect_dma semaphore(%arg11 : memref<!tpu.dma_semaphore, #tpu.memory_space<semaphore_mem>>) src(%dma_wait3A_29 : memref<10240x128xf32, #tpu.memory_space<hbm>>) dst(%arg9 : memref<128x128xf32, #tpu.memory_space<vmem>>)
      "tpu.region"() ({
        %run_scoped3A = tpu.sem_alloc : memref<!tpu.dma_semaphore, #tpu.memory_space<semaphore_mem>>
        %dma_start3A_31 = arith.constant 0 : i32
        %dma_start3A_32 = arith.constant 0 : i32
        %dma_start3A_33 = tpu.memref_slice %arg10[%dma_start3A_31, %dma_start3A_32] : memref<10240x128xf32, #tpu.memory_space<vmem_shared>> -> memref<10240x128xf32, #tpu.memory_space<vmem_shared>>
        tpu.enqueue_indirect_dma source(%arg9 : memref<128x128xf32, #tpu.memory_space<vmem>>) target(%dma_start3A_33 : memref<10240x128xf32, #tpu.memory_space<vmem_shared>>) offsets(%arg8 : memref<128xi32, #tpu.memory_space<vmem>>) semaphore(%run_scoped3A : memref<!tpu.dma_semaphore, #tpu.memory_space<semaphore_mem>>) {add = true}
        %dma_wait3A_34 = arith.constant 0 : i32
        %dma_wait3A_35 = arith.constant 0 : i32
        %dma_wait3A_36 = tpu.memref_slice %arg10[%dma_wait3A_34, %dma_wait3A_35] : memref<10240x128xf32, #tpu.memory_space<vmem_shared>> -> memref<10240x128xf32, #tpu.memory_space<vmem_shared>>
        tpu.wait_indirect_dma semaphore(%run_scoped3A : memref<!tpu.dma_semaphore, #tpu.memory_space<semaphore_mem>>) src(%arg9 : memref<128x128xf32, #tpu.memory_space<vmem>>) dst(%dma_wait3A_36 : memref<10240x128xf32, #tpu.memory_space<vmem_shared>>)
        tpu.yield
      }) : () -> ()
      %scan3A_30 = arith.constant 0 : i32
      scf.yield %scan3A_30 : i32
    }
    %scan3A_12 = arith.constant 81 : i32
    %barrier3A_13 = arith.constant 0 : index
    tpu.barrier barrier_id(%barrier3A_13)
    %mul3A_14 = arith.constant 640 : i32
    %mul3A_15 = arith.muli %arg1, %mul3A_14 : i32
    %mul3A_16 = arith.constant 640 : i32
    %mul3A_17 = arith.muli %arg1, %mul3A_16 : i32
    "tpu.region"() ({
      %run_scoped3A = tpu.sem_alloc : memref<!tpu.dma_semaphore, #tpu.memory_space<semaphore_mem>>
      %dma_start3A = arith.constant 0 : i32
      %dma_start3A_18 = tpu.memref_slice %arg6[%arg0, %mul3A_17, %dma_start3A] : memref<2x10240x128xf32, #tpu.memory_space<hbm>> -> memref<1x640x128xf32, #tpu.memory_space<hbm>>
      %dma_start3A_19 = tpu.memref_squeeze %dma_start3A_18 : memref<1x640x128xf32, #tpu.memory_space<hbm>> -> memref<640x128xf32, #tpu.memory_space<hbm>>
      %dma_start3A_20 = arith.constant 0 : i32
      %dma_start3A_21 = tpu.memref_slice %arg10[%mul3A_15, %dma_start3A_20] : memref<10240x128xf32, #tpu.memory_space<vmem_shared>> -> memref<640x128xf32, #tpu.memory_space<vmem_shared>>
      tpu.enqueue_dma source(%dma_start3A_21 : memref<640x128xf32, #tpu.memory_space<vmem_shared>>) target(%dma_start3A_19 : memref<640x128xf32, #tpu.memory_space<hbm>>) target_semaphore(%run_scoped3A : memref<!tpu.dma_semaphore, #tpu.memory_space<semaphore_mem>>)
      %dma_wait3A = arith.constant 0 : i32
      %dma_wait3A_22 = tpu.memref_slice %arg6[%arg0, %mul3A_17, %dma_wait3A] : memref<2x10240x128xf32, #tpu.memory_space<hbm>> -> memref<1x640x128xf32, #tpu.memory_space<hbm>>
      %dma_wait3A_23 = tpu.memref_squeeze %dma_wait3A_22 : memref<1x640x128xf32, #tpu.memory_space<hbm>> -> memref<640x128xf32, #tpu.memory_space<hbm>>
      %dma_wait3A_24 = arith.constant 0 : i32
      %dma_wait3A_25 = tpu.memref_slice %arg10[%mul3A_15, %dma_wait3A_24] : memref<10240x128xf32, #tpu.memory_space<vmem_shared>> -> memref<640x128xf32, #tpu.memory_space<vmem_shared>>
      tpu.wait_dma2 semaphore(%run_scoped3A : memref<!tpu.dma_semaphore, #tpu.memory_space<semaphore_mem>>) src(%dma_wait3A_25 : memref<640x128xf32, #tpu.memory_space<vmem_shared>>) dst(%dma_wait3A_23 : memref<640x128xf32, #tpu.memory_space<hbm>>)
      tpu.yield
    }) : () -> ()
    return
  }
}

module attributes {stable_mosaic.version = 14 : i64} {
  func.func @_tc_prep_body(%arg0: memref<10240x128xf32, #tpu.memory_space<vmem>>, %arg1: memref<2x10240xf32, #tpu.memory_space<vmem>>, %arg2: memref<10240x1xf32, #tpu.memory_space<vmem>>, %arg3: memref<10240x128xf32, #tpu.memory_space<vmem>>) attributes {dimension_semantics = [], scalar_prefetch = 0 : i64, scratch_operands = 0 : i64, tpu.core_type = #tpu.core_type<tc>} {
    %get3A = arith.constant 0 : index
    %get3A_0 = arith.constant 0 : index
    %get3A_1 = vector.load %arg1[%get3A, %get3A_0] : memref<2x10240xf32, #tpu.memory_space<vmem>>, vector<2x10240xf32>
    %slice3A = vector.extract_strided_slice %get3A_1 {offsets = [0, 0], sizes = [1, 10240], strides = [1, 1]} : vector<2x10240xf32> to vector<1x10240xf32>
    %squeeze3A = vector.shape_cast %slice3A : vector<1x10240xf32> to vector<10240xf32>
    %slice3A_2 = vector.extract_strided_slice %get3A_1 {offsets = [1, 0], sizes = [1, 10240], strides = [1, 1]} : vector<2x10240xf32> to vector<1x10240xf32>
    %squeeze3A_3 = vector.shape_cast %slice3A_2 : vector<1x10240xf32> to vector<10240xf32>
    %add3A = arith.addf %squeeze3A, %squeeze3A_3 : vector<10240xf32>
    %broadcast_in_dim3A = vector.shape_cast %add3A : vector<10240xf32> to vector<10240x1xf32>
    %iota3A = tpu.iota {dimensions = array<i32: 0>} : vector<10240x1xi32>
    %lt3A = arith.constant 10000 : i32
    %lt3A_4 = vector.broadcast %lt3A : i32 to vector<10240x1xi32>
    %lt3A_5 = arith.cmpi slt, %iota3A, %lt3A_4 : vector<10240x1xi32>
    %max3A = arith.constant 1.000000e+00 : f32
    %max3A_6 = vector.broadcast %max3A : f32 to vector<10240x1xf32>
    %max3A_7 = arith.maximumf %broadcast_in_dim3A, %max3A_6 : vector<10240x1xf32>
    %rsqrt3A = math.rsqrt %max3A_7 : vector<10240x1xf32>
    %jit3A = arith.constant 0.000000e+00 : f32
    %broadcast_in_dim3A_8 = vector.broadcast %jit3A : f32 to vector<10240x1xf32>
    %select_n3A = arith.select %lt3A_5, %rsqrt3A, %broadcast_in_dim3A_8 : vector<10240x1xi1>, vector<10240x1xf32>
    %swap3A = arith.constant 0 : index
    %swap3A_9 = arith.constant 0 : index
    %swap3A_10 = vector.load %arg2[%swap3A, %swap3A_9] : memref<10240x1xf32, #tpu.memory_space<vmem>>, vector<10240x1xf32>
    tpu.vector_store %arg2[%swap3A, %swap3A_9], %select_n3A {strides = array<i32>} : memref<10240x1xf32, #tpu.memory_space<vmem>>, vector<10240x1xf32>,
    %get3A_11 = arith.constant 0 : index
    %get3A_12 = arith.constant 0 : index
    %get3A_13 = vector.load %arg0[%get3A_11, %get3A_12] : memref<10240x128xf32, #tpu.memory_space<vmem>>, vector<10240x128xf32>
    %mul3A = vector.broadcast %select_n3A : vector<10240x1xf32> to vector<10240x128xf32>
    %mul3A_14 = arith.mulf %get3A_13, %mul3A : vector<10240x128xf32>
    %swap3A_15 = arith.constant 0 : index
    %swap3A_16 = arith.constant 0 : index
    %swap3A_17 = vector.load %arg3[%swap3A_15, %swap3A_16] : memref<10240x128xf32, #tpu.memory_space<vmem>>, vector<10240x128xf32>
    tpu.vector_store %arg3[%swap3A_15, %swap3A_16], %mul3A_14 {strides = array<i32>} : memref<10240x128xf32, #tpu.memory_space<vmem>>, vector<10240x128xf32>,
    return
  }
}

module attributes {stable_mosaic.version = 14 : i64} {
  func.func @_tc_dense_body(%arg0: memref<2x10240x128xf32, #tpu.memory_space<vmem>>, %arg1: memref<10240x128xf32, #tpu.memory_space<vmem>>, %arg2: memref<10240x1xf32, #tpu.memory_space<vmem>>, %arg3: memref<128x128xf32, #tpu.memory_space<vmem>>, %arg4: memref<1x128xf32, #tpu.memory_space<vmem>>, %arg5: memref<1x128xf32, #tpu.memory_space<vmem>>, %arg6: memref<1x128xf32, #tpu.memory_space<vmem>>, %arg7: memref<10240x128xf32, #tpu.memory_space<vmem>>, %arg8: memref<10240x128xf32, #tpu.memory_space<vmem>>) attributes {dimension_semantics = [], scalar_prefetch = 0 : i64, scratch_operands = 0 : i64, tpu.core_type = #tpu.core_type<tc>} {
    %get3A = arith.constant 0 : index
    %get3A_0 = arith.constant 0 : index
    %get3A_1 = vector.load %arg2[%get3A, %get3A_0] : memref<10240x1xf32, #tpu.memory_space<vmem>>, vector<10240x1xf32>
    %get3A_2 = arith.constant 0 : index
    %get3A_3 = arith.constant 0 : index
    %get3A_4 = arith.constant 0 : index
    %get3A_5 = vector.load %arg0[%get3A_2, %get3A_3, %get3A_4] : memref<2x10240x128xf32, #tpu.memory_space<vmem>>, vector<2x10240x128xf32>
    %slice3A = vector.extract_strided_slice %get3A_5 {offsets = [0, 0, 0], sizes = [1, 10240, 128], strides = [1, 1, 1]} : vector<2x10240x128xf32> to vector<1x10240x128xf32>
    %squeeze3A = vector.shape_cast %slice3A : vector<1x10240x128xf32> to vector<10240x128xf32>
    %slice3A_6 = vector.extract_strided_slice %get3A_5 {offsets = [1, 0, 0], sizes = [1, 10240, 128], strides = [1, 1, 1]} : vector<2x10240x128xf32> to vector<1x10240x128xf32>
    %squeeze3A_7 = vector.shape_cast %slice3A_6 : vector<1x10240x128xf32> to vector<10240x128xf32>
    %add3A = arith.addf %squeeze3A, %squeeze3A_7 : vector<10240x128xf32>
    %mul3A = vector.broadcast %get3A_1 : vector<10240x1xf32> to vector<10240x128xf32>
    %mul3A_8 = arith.mulf %add3A, %mul3A : vector<10240x128xf32>
    %get3A_9 = arith.constant 0 : index
    %get3A_10 = arith.constant 0 : index
    %get3A_11 = vector.load %arg3[%get3A_9, %get3A_10] : memref<128x128xf32, #tpu.memory_space<vmem>>, vector<128x128xf32>
    %dot_general3A = arith.constant dense<0.000000e+00> : vector<10240x128xf32>
    %dot_general3A_12 = tpu.matmul %mul3A_8, %get3A_11, %dot_general3A {dimension_numbers = #tpu.dot_dimension_numbers<[1], [0], [0], [1], [0, 0, 1, 1], [], []>, transpose_lhs_hint = false} : vector<10240x128xf32>, vector<128x128xf32>, vector<10240x128xf32> -> vector<10240x128xf32>
    %get3A_13 = arith.constant 0 : index
    %get3A_14 = arith.constant 0 : index
    %get3A_15 = vector.load %arg4[%get3A_13, %get3A_14] : memref<1x128xf32, #tpu.memory_space<vmem>>, vector<1x128xf32>
    %add3A_16 = vector.broadcast %get3A_15 : vector<1x128xf32> to vector<10240x128xf32>
    %add3A_17 = arith.addf %dot_general3A_12, %add3A_16 : vector<10240x128xf32>
    %iota3A = tpu.iota {dimensions = array<i32: 0>} : vector<10240x1xi32>
    %lt3A = arith.constant 10000 : i32
    %lt3A_18 = vector.broadcast %lt3A : i32 to vector<10240x1xi32>
    %lt3A_19 = arith.cmpi slt, %iota3A, %lt3A_18 : vector<10240x1xi32>
    %jit3A = arith.constant 0.000000e+00 : f32
    %broadcast_in_dim3A = vector.shape_cast %lt3A_19 : vector<10240x1xi1> to vector<10240x1xi1>
    %broadcast_in_dim3A_20 = vector.broadcast %broadcast_in_dim3A : vector<10240x1xi1> to vector<10240x128xi1>
    %broadcast_in_dim3A_21 = vector.broadcast %jit3A : f32 to vector<10240x128xf32>
    %select_n3A = arith.select %broadcast_in_dim3A_20, %add3A_17, %broadcast_in_dim3A_21 : vector<10240x128xi1>, vector<10240x128xf32>
    %reduce_sum3A = arith.constant dense<0.000000e+00> : vector<128xf32>
    %reduce_sum3A_22 = vector.multi_reduction <add>, %select_n3A, %reduce_sum3A [0] : vector<10240x128xf32> to vector<128xf32>
    %broadcast_in_dim3A_23 = vector.shape_cast %reduce_sum3A_22 : vector<128xf32> to vector<1x128xf32>
    %mul3A_24 = arith.constant 9.99999974E-5 : f32
    %mul3A_25 = vector.broadcast %mul3A_24 : f32 to vector<1x128xf32>
    %mul3A_26 = arith.mulf %broadcast_in_dim3A_23, %mul3A_25 : vector<1x128xf32>
    %sub3A = vector.broadcast %mul3A_26 : vector<1x128xf32> to vector<10240x128xf32>
    %sub3A_27 = arith.subf %add3A_17, %sub3A : vector<10240x128xf32>
    %jit3A_28 = arith.constant 0.000000e+00 : f32
    %broadcast_in_dim3A_29 = vector.shape_cast %lt3A_19 : vector<10240x1xi1> to vector<10240x1xi1>
    %broadcast_in_dim3A_30 = vector.broadcast %broadcast_in_dim3A_29 : vector<10240x1xi1> to vector<10240x128xi1>
    %broadcast_in_dim3A_31 = vector.broadcast %jit3A_28 : f32 to vector<10240x128xf32>
    %select_n3A_32 = arith.select %broadcast_in_dim3A_30, %sub3A_27, %broadcast_in_dim3A_31 : vector<10240x128xi1>, vector<10240x128xf32>
    %mul3A_33 = arith.mulf %select_n3A_32, %select_n3A_32 : vector<10240x128xf32>
    %reduce_sum3A_34 = arith.constant dense<0.000000e+00> : vector<128xf32>
    %reduce_sum3A_35 = vector.multi_reduction <add>, %mul3A_33, %reduce_sum3A_34 [0] : vector<10240x128xf32> to vector<128xf32>
    %broadcast_in_dim3A_36 = vector.shape_cast %reduce_sum3A_35 : vector<128xf32> to vector<1x128xf32>
    %mul3A_37 = arith.constant 9.99999974E-5 : f32
    %mul3A_38 = vector.broadcast %mul3A_37 : f32 to vector<1x128xf32>
    %mul3A_39 = arith.mulf %broadcast_in_dim3A_36, %mul3A_38 : vector<1x128xf32>
    %sub3A_40 = vector.broadcast %mul3A_26 : vector<1x128xf32> to vector<10240x128xf32>
    %sub3A_41 = arith.subf %add3A_17, %sub3A_40 : vector<10240x128xf32>
    %add3A_42 = arith.constant 9.99999974E-6 : f32
    %add3A_43 = vector.broadcast %add3A_42 : f32 to vector<1x128xf32>
    %add3A_44 = arith.addf %mul3A_39, %add3A_43 : vector<1x128xf32>
    %rsqrt3A = math.rsqrt %add3A_44 : vector<1x128xf32>
    %mul3A_45 = vector.broadcast %rsqrt3A : vector<1x128xf32> to vector<10240x128xf32>
    %mul3A_46 = arith.mulf %sub3A_41, %mul3A_45 : vector<10240x128xf32>
    %get3A_47 = arith.constant 0 : index
    %get3A_48 = arith.constant 0 : index
    %get3A_49 = vector.load %arg5[%get3A_47, %get3A_48] : memref<1x128xf32, #tpu.memory_space<vmem>>, vector<1x128xf32>
    %mul3A_50 = vector.broadcast %get3A_49 : vector<1x128xf32> to vector<10240x128xf32>
    %mul3A_51 = arith.mulf %mul3A_46, %mul3A_50 : vector<10240x128xf32>
    %get3A_52 = arith.constant 0 : index
    %get3A_53 = arith.constant 0 : index
    %get3A_54 = vector.load %arg6[%get3A_52, %get3A_53] : memref<1x128xf32, #tpu.memory_space<vmem>>, vector<1x128xf32>
    %add3A_55 = vector.broadcast %get3A_54 : vector<1x128xf32> to vector<10240x128xf32>
    %add3A_56 = arith.addf %mul3A_51, %add3A_55 : vector<10240x128xf32>
    %max3A = arith.constant 0.000000e+00 : f32
    %max3A_57 = vector.broadcast %max3A : f32 to vector<10240x128xf32>
    %max3A_58 = arith.maximumf %add3A_56, %max3A_57 : vector<10240x128xf32>
    %get3A_59 = arith.constant 0 : index
    %get3A_60 = arith.constant 0 : index
    %get3A_61 = vector.load %arg1[%get3A_59, %get3A_60] : memref<10240x128xf32, #tpu.memory_space<vmem>>, vector<10240x128xf32>
    %add3A_62 = arith.addf %max3A_58, %get3A_61 : vector<10240x128xf32>
    %jit3A_63 = arith.constant 0.000000e+00 : f32
    %broadcast_in_dim3A_64 = vector.shape_cast %lt3A_19 : vector<10240x1xi1> to vector<10240x1xi1>
    %broadcast_in_dim3A_65 = vector.broadcast %broadcast_in_dim3A_64 : vector<10240x1xi1> to vector<10240x128xi1>
    %broadcast_in_dim3A_66 = vector.broadcast %jit3A_63 : f32 to vector<10240x128xf32>
    %select_n3A_67 = arith.select %broadcast_in_dim3A_65, %add3A_62, %broadcast_in_dim3A_66 : vector<10240x128xi1>, vector<10240x128xf32>
    %swap3A = arith.constant 0 : index
    %swap3A_68 = arith.constant 0 : index
    %swap3A_69 = vector.load %arg7[%swap3A, %swap3A_68] : memref<10240x128xf32, #tpu.memory_space<vmem>>, vector<10240x128xf32>
    tpu.vector_store %arg7[%swap3A, %swap3A_68], %select_n3A_67 {strides = array<i32>} : memref<10240x128xf32, #tpu.memory_space<vmem>>, vector<10240x128xf32>,
    %mul3A_70 = vector.broadcast %get3A_1 : vector<10240x1xf32> to vector<10240x128xf32>
    %mul3A_71 = arith.mulf %select_n3A_67, %mul3A_70 : vector<10240x128xf32>
    %swap3A_72 = arith.constant 0 : index
    %swap3A_73 = arith.constant 0 : index
    %swap3A_74 = vector.load %arg8[%swap3A_72, %swap3A_73] : memref<10240x128xf32, #tpu.memory_space<vmem>>, vector<10240x128xf32>
    tpu.vector_store %arg8[%swap3A_72, %swap3A_73], %mul3A_71 {strides = array<i32>} : memref<10240x128xf32, #tpu.memory_space<vmem>>, vector<10240x128xf32>,
    return
  }
}

module attributes {stable_mosaic.version = 14 : i64} {
  func.func @_tc_final_body(%arg0: memref<2x10240x128xf32, #tpu.memory_space<vmem>>, %arg1: memref<10240x128xf32, #tpu.memory_space<vmem>>, %arg2: memref<10240x1xf32, #tpu.memory_space<vmem>>, %arg3: memref<128x128xf32, #tpu.memory_space<vmem>>, %arg4: memref<1x128xf32, #tpu.memory_space<vmem>>, %arg5: memref<1x128xf32, #tpu.memory_space<vmem>>, %arg6: memref<1x128xf32, #tpu.memory_space<vmem>>, %arg7: memref<10240x1xi32, #tpu.memory_space<vmem>>, %arg8: memref<128x64xf32, #tpu.memory_space<vmem>>, %arg9: memref<1x64xf32, #tpu.memory_space<vmem>>, %arg10: memref<64x32xf32, #tpu.memory_space<vmem>>, %arg11: memref<1x32xf32, #tpu.memory_space<vmem>>, %arg12: memref<32x1xf32, #tpu.memory_space<vmem>>, %arg13: memref<1x1xf32, #tpu.memory_space<vmem>>, %arg14: memref<64x1xf32, #tpu.memory_space<vmem>>) attributes {dimension_semantics = [], scalar_prefetch = 0 : i64, scratch_operands = 0 : i64, tpu.core_type = #tpu.core_type<tc>} {
    %get3A = arith.constant 0 : index
    %get3A_0 = arith.constant 0 : index
    %get3A_1 = vector.load %arg2[%get3A, %get3A_0] : memref<10240x1xf32, #tpu.memory_space<vmem>>, vector<10240x1xf32>
    %get3A_2 = arith.constant 0 : index
    %get3A_3 = arith.constant 0 : index
    %get3A_4 = arith.constant 0 : index
    %get3A_5 = vector.load %arg0[%get3A_2, %get3A_3, %get3A_4] : memref<2x10240x128xf32, #tpu.memory_space<vmem>>, vector<2x10240x128xf32>
    %slice3A = vector.extract_strided_slice %get3A_5 {offsets = [0, 0, 0], sizes = [1, 10240, 128], strides = [1, 1, 1]} : vector<2x10240x128xf32> to vector<1x10240x128xf32>
    %squeeze3A = vector.shape_cast %slice3A : vector<1x10240x128xf32> to vector<10240x128xf32>
    %slice3A_6 = vector.extract_strided_slice %get3A_5 {offsets = [1, 0, 0], sizes = [1, 10240, 128], strides = [1, 1, 1]} : vector<2x10240x128xf32> to vector<1x10240x128xf32>
    %squeeze3A_7 = vector.shape_cast %slice3A_6 : vector<1x10240x128xf32> to vector<10240x128xf32>
    %add3A = arith.addf %squeeze3A, %squeeze3A_7 : vector<10240x128xf32>
    %mul3A = vector.broadcast %get3A_1 : vector<10240x1xf32> to vector<10240x128xf32>
    %mul3A_8 = arith.mulf %add3A, %mul3A : vector<10240x128xf32>
    %get3A_9 = arith.constant 0 : index
    %get3A_10 = arith.constant 0 : index
    %get3A_11 = vector.load %arg3[%get3A_9, %get3A_10] : memref<128x128xf32, #tpu.memory_space<vmem>>, vector<128x128xf32>
    %dot_general3A = arith.constant dense<0.000000e+00> : vector<10240x128xf32>
    %dot_general3A_12 = tpu.matmul %mul3A_8, %get3A_11, %dot_general3A {dimension_numbers = #tpu.dot_dimension_numbers<[1], [0], [0], [1], [0, 0, 1, 1], [], []>, transpose_lhs_hint = false} : vector<10240x128xf32>, vector<128x128xf32>, vector<10240x128xf32> -> vector<10240x128xf32>
    %get3A_13 = arith.constant 0 : index
    %get3A_14 = arith.constant 0 : index
    %get3A_15 = vector.load %arg4[%get3A_13, %get3A_14] : memref<1x128xf32, #tpu.memory_space<vmem>>, vector<1x128xf32>
    %add3A_16 = vector.broadcast %get3A_15 : vector<1x128xf32> to vector<10240x128xf32>
    %add3A_17 = arith.addf %dot_general3A_12, %add3A_16 : vector<10240x128xf32>
    %iota3A = tpu.iota {dimensions = array<i32: 0>} : vector<10240x1xi32>
    %lt3A = arith.constant 10000 : i32
    %lt3A_18 = vector.broadcast %lt3A : i32 to vector<10240x1xi32>
    %lt3A_19 = arith.cmpi slt, %iota3A, %lt3A_18 : vector<10240x1xi32>
    %jit3A = arith.constant 0.000000e+00 : f32
    %broadcast_in_dim3A = vector.shape_cast %lt3A_19 : vector<10240x1xi1> to vector<10240x1xi1>
    %broadcast_in_dim3A_20 = vector.broadcast %broadcast_in_dim3A : vector<10240x1xi1> to vector<10240x128xi1>
    %broadcast_in_dim3A_21 = vector.broadcast %jit3A : f32 to vector<10240x128xf32>
    %select_n3A = arith.select %broadcast_in_dim3A_20, %add3A_17, %broadcast_in_dim3A_21 : vector<10240x128xi1>, vector<10240x128xf32>
    %reduce_sum3A = arith.constant dense<0.000000e+00> : vector<128xf32>
    %reduce_sum3A_22 = vector.multi_reduction <add>, %select_n3A, %reduce_sum3A [0] : vector<10240x128xf32> to vector<128xf32>
    %broadcast_in_dim3A_23 = vector.shape_cast %reduce_sum3A_22 : vector<128xf32> to vector<1x128xf32>
    %mul3A_24 = arith.constant 9.99999974E-5 : f32
    %mul3A_25 = vector.broadcast %mul3A_24 : f32 to vector<1x128xf32>
    %mul3A_26 = arith.mulf %broadcast_in_dim3A_23, %mul3A_25 : vector<1x128xf32>
    %sub3A = vector.broadcast %mul3A_26 : vector<1x128xf32> to vector<10240x128xf32>
    %sub3A_27 = arith.subf %add3A_17, %sub3A : vector<10240x128xf32>
    %jit3A_28 = arith.constant 0.000000e+00 : f32
    %broadcast_in_dim3A_29 = vector.shape_cast %lt3A_19 : vector<10240x1xi1> to vector<10240x1xi1>
    %broadcast_in_dim3A_30 = vector.broadcast %broadcast_in_dim3A_29 : vector<10240x1xi1> to vector<10240x128xi1>
    %broadcast_in_dim3A_31 = vector.broadcast %jit3A_28 : f32 to vector<10240x128xf32>
    %select_n3A_32 = arith.select %broadcast_in_dim3A_30, %sub3A_27, %broadcast_in_dim3A_31 : vector<10240x128xi1>, vector<10240x128xf32>
    %mul3A_33 = arith.mulf %select_n3A_32, %select_n3A_32 : vector<10240x128xf32>
    %reduce_sum3A_34 = arith.constant dense<0.000000e+00> : vector<128xf32>
    %reduce_sum3A_35 = vector.multi_reduction <add>, %mul3A_33, %reduce_sum3A_34 [0] : vector<10240x128xf32> to vector<128xf32>
    %broadcast_in_dim3A_36 = vector.shape_cast %reduce_sum3A_35 : vector<128xf32> to vector<1x128xf32>
    %mul3A_37 = arith.constant 9.99999974E-5 : f32
    %mul3A_38 = vector.broadcast %mul3A_37 : f32 to vector<1x128xf32>
    %mul3A_39 = arith.mulf %broadcast_in_dim3A_36, %mul3A_38 : vector<1x128xf32>
    %sub3A_40 = vector.broadcast %mul3A_26 : vector<1x128xf32> to vector<10240x128xf32>
    %sub3A_41 = arith.subf %add3A_17, %sub3A_40 : vector<10240x128xf32>
    %add3A_42 = arith.constant 9.99999974E-6 : f32
    %add3A_43 = vector.broadcast %add3A_42 : f32 to vector<1x128xf32>
    %add3A_44 = arith.addf %mul3A_39, %add3A_43 : vector<1x128xf32>
    %rsqrt3A = math.rsqrt %add3A_44 : vector<1x128xf32>
    %mul3A_45 = vector.broadcast %rsqrt3A : vector<1x128xf32> to vector<10240x128xf32>
    %mul3A_46 = arith.mulf %sub3A_41, %mul3A_45 : vector<10240x128xf32>
    %get3A_47 = arith.constant 0 : index
    %get3A_48 = arith.constant 0 : index
    %get3A_49 = vector.load %arg5[%get3A_47, %get3A_48] : memref<1x128xf32, #tpu.memory_space<vmem>>, vector<1x128xf32>
    %mul3A_50 = vector.broadcast %get3A_49 : vector<1x128xf32> to vector<10240x128xf32>
    %mul3A_51 = arith.mulf %mul3A_46, %mul3A_50 : vector<10240x128xf32>
    %get3A_52 = arith.constant 0 : index
    %get3A_53 = arith.constant 0 : index
    %get3A_54 = vector.load %arg6[%get3A_52, %get3A_53] : memref<1x128xf32, #tpu.memory_space<vmem>>, vector<1x128xf32>
    %add3A_55 = vector.broadcast %get3A_54 : vector<1x128xf32> to vector<10240x128xf32>
    %add3A_56 = arith.addf %mul3A_51, %add3A_55 : vector<10240x128xf32>
    %max3A = arith.constant 0.000000e+00 : f32
    %max3A_57 = vector.broadcast %max3A : f32 to vector<10240x128xf32>
    %max3A_58 = arith.maximumf %add3A_56, %max3A_57 : vector<10240x128xf32>
    %get3A_59 = arith.constant 0 : index
    %get3A_60 = arith.constant 0 : index
    %get3A_61 = vector.load %arg1[%get3A_59, %get3A_60] : memref<10240x128xf32, #tpu.memory_space<vmem>>, vector<10240x128xf32>
    %add3A_62 = arith.addf %max3A_58, %get3A_61 : vector<10240x128xf32>
    %jit3A_63 = arith.constant 0.000000e+00 : f32
    %broadcast_in_dim3A_64 = vector.shape_cast %lt3A_19 : vector<10240x1xi1> to vector<10240x1xi1>
    %broadcast_in_dim3A_65 = vector.broadcast %broadcast_in_dim3A_64 : vector<10240x1xi1> to vector<10240x128xi1>
    %broadcast_in_dim3A_66 = vector.broadcast %jit3A_63 : f32 to vector<10240x128xf32>
    %select_n3A_67 = arith.select %broadcast_in_dim3A_65, %add3A_62, %broadcast_in_dim3A_66 : vector<10240x128xi1>, vector<10240x128xf32>
    %get3A_68 = arith.constant 0 : index
    %get3A_69 = arith.constant 0 : index
    %get3A_70 = vector.load %arg7[%get3A_68, %get3A_69] : memref<10240x1xi32, #tpu.memory_space<vmem>>, vector<10240x1xi32>
    %iota3A_71 = tpu.iota {dimensions = array<i32: 1>} : vector<1x64xi32>
    %eq3A = vector.broadcast %get3A_70 : vector<10240x1xi32> to vector<10240x64xi32>
    %eq3A_72 = vector.broadcast %iota3A_71 : vector<1x64xi32> to vector<10240x64xi32>
    %eq3A_73 = arith.cmpi eq, %eq3A, %eq3A_72 : vector<10240x64xi32>
    %convert_element_type3A = arith.extui %eq3A_73 : vector<10240x64xi1> to vector<10240x64xi32>
    %convert_element_type3A_74 = arith.sitofp %convert_element_type3A : vector<10240x64xi32> to vector<10240x64xf32>
    %dot_general3A_75 = arith.constant dense<0.000000e+00> : vector<64x128xf32>
    %dot_general3A_76 = tpu.matmul %convert_element_type3A_74, %select_n3A_67, %dot_general3A_75 {dimension_numbers = #tpu.dot_dimension_numbers<[0], [0], [1], [1], [0, 1, 1, 1], [], []>, transpose_lhs_hint = false} : vector<10240x64xf32>, vector<10240x128xf32>, vector<64x128xf32> -> vector<64x128xf32>
    %reduce_sum3A_77 = arith.constant dense<0.000000e+00> : vector<64xf32>
    %reduce_sum3A_78 = vector.multi_reduction <add>, %convert_element_type3A_74, %reduce_sum3A_77 [0] : vector<10240x64xf32> to vector<64xf32>
    %broadcast_in_dim3A_79 = vector.shape_cast %reduce_sum3A_78 : vector<64xf32> to vector<64x1xf32>
    %max3A_80 = arith.constant 1.000000e+00 : f32
    %max3A_81 = vector.broadcast %max3A_80 : f32 to vector<64x1xf32>
    %max3A_82 = arith.maximumf %broadcast_in_dim3A_79, %max3A_81 : vector<64x1xf32>
    %div3A = vector.broadcast %max3A_82 : vector<64x1xf32> to vector<64x128xf32>
    %div3A_83 = arith.divf %dot_general3A_76, %div3A : vector<64x128xf32>
    %get3A_84 = arith.constant 0 : index
    %get3A_85 = arith.constant 0 : index
    %get3A_86 = vector.load %arg8[%get3A_84, %get3A_85] : memref<128x64xf32, #tpu.memory_space<vmem>>, vector<128x64xf32>
    %dot_general3A_87 = arith.constant dense<0.000000e+00> : vector<64x64xf32>
    %dot_general3A_88 = tpu.matmul %div3A_83, %get3A_86, %dot_general3A_87 {dimension_numbers = #tpu.dot_dimension_numbers<[1], [0], [0], [1], [0, 0, 1, 1], [], []>, transpose_lhs_hint = false} : vector<64x128xf32>, vector<128x64xf32>, vector<64x64xf32> -> vector<64x64xf32>
    %get3A_89 = arith.constant 0 : index
    %get3A_90 = arith.constant 0 : index
    %get3A_91 = vector.load %arg9[%get3A_89, %get3A_90] : memref<1x64xf32, #tpu.memory_space<vmem>>, vector<1x64xf32>
    %add3A_92 = vector.broadcast %get3A_91 : vector<1x64xf32> to vector<64x64xf32>
    %add3A_93 = arith.addf %dot_general3A_88, %add3A_92 : vector<64x64xf32>
    %max3A_94 = arith.constant 0.000000e+00 : f32
    %max3A_95 = vector.broadcast %max3A_94 : f32 to vector<64x64xf32>
    %max3A_96 = arith.maximumf %add3A_93, %max3A_95 : vector<64x64xf32>
    %get3A_97 = arith.constant 0 : index
    %get3A_98 = arith.constant 0 : index
    %get3A_99 = vector.load %arg10[%get3A_97, %get3A_98] : memref<64x32xf32, #tpu.memory_space<vmem>>, vector<64x32xf32>
    %dot_general3A_100 = arith.constant dense<0.000000e+00> : vector<64x32xf32>
    %dot_general3A_101 = tpu.matmul %max3A_96, %get3A_99, %dot_general3A_100 {dimension_numbers = #tpu.dot_dimension_numbers<[1], [0], [0], [1], [0, 0, 1, 1], [], []>, transpose_lhs_hint = false} : vector<64x64xf32>, vector<64x32xf32>, vector<64x32xf32> -> vector<64x32xf32>
    %get3A_102 = arith.constant 0 : index
    %get3A_103 = arith.constant 0 : index
    %get3A_104 = vector.load %arg11[%get3A_102, %get3A_103] : memref<1x32xf32, #tpu.memory_space<vmem>>, vector<1x32xf32>
    %add3A_105 = vector.broadcast %get3A_104 : vector<1x32xf32> to vector<64x32xf32>
    %add3A_106 = arith.addf %dot_general3A_101, %add3A_105 : vector<64x32xf32>
    %max3A_107 = arith.constant 0.000000e+00 : f32
    %max3A_108 = vector.broadcast %max3A_107 : f32 to vector<64x32xf32>
    %max3A_109 = arith.maximumf %add3A_106, %max3A_108 : vector<64x32xf32>
    %get3A_110 = arith.constant 0 : index
    %get3A_111 = arith.constant 0 : index
    %get3A_112 = vector.load %arg12[%get3A_110, %get3A_111] : memref<32x1xf32, #tpu.memory_space<vmem>>, vector<32x1xf32>
    %dot_general3A_113 = arith.constant dense<0.000000e+00> : vector<64x1xf32>
    %dot_general3A_114 = tpu.matmul %max3A_109, %get3A_112, %dot_general3A_113 {dimension_numbers = #tpu.dot_dimension_numbers<[1], [0], [0], [1], [0, 0, 1, 1], [], []>, transpose_lhs_hint = false} : vector<64x32xf32>, vector<32x1xf32>, vector<64x1xf32> -> vector<64x1xf32>
    %get3A_115 = arith.constant 0 : index
    %get3A_116 = arith.constant 0 : index
    %get3A_117 = vector.load %arg13[%get3A_115, %get3A_116] : memref<1x1xf32, #tpu.memory_space<vmem>>, vector<1x1xf32>
    %add3A_118 = vector.broadcast %get3A_117 : vector<1x1xf32> to vector<64x1xf32>
    %add3A_119 = arith.addf %dot_general3A_114, %add3A_118 : vector<64x1xf32>
    %swap3A = arith.constant 0 : index
    %swap3A_120 = arith.constant 0 : index
    %swap3A_121 = vector.load %arg14[%swap3A, %swap3A_120] : memref<64x1xf32, #tpu.memory_space<vmem>>, vector<64x1xf32>
    tpu.vector_store %arg14[%swap3A, %swap3A_120], %add3A_119 {strides = array<i32>} : memref<64x1xf32, #tpu.memory_space<vmem>>, vector<64x1xf32>,
    return
  }
}

</mosaic_0001>

<sc_bundles>
// kernel: kernel.12.cloned.1.call-start
scs
__scs_entry_jumppad:
0x0: {  	(pc) =	sbr.rel $0x88, $3  }
0x1: {  	(tag) =	ssettag $0x0;
	lr =	simm.s32 $0x1  }
0x2: {  	[smem:$0x3F93] =	sst lr;
	_ =	strace $0xD0000000  }
0x3: {  	_ = 	snop  }
0x4: {  	_ = 	snop  }
0x5: {  	_ = 	snop  }
0x6: {  	_ = 	snop  }
0x7: {  	_ = 	snop  }
__scs_overlays_trampoline_lowered:
0x8: {  	[smem:$0x3FA2] =	sst s0  }
0x9: {  	[smem:$0x3FA3] =	sst s1  }
0xa: {  	[smem:$0x3FA4] =	sst s2  }
0xb: {  	[smem:$0x3FA5] =	sst s3  }
0xc: {  	[smem:$0x3FA6] =	sst s4  }
0xd: {  	[smem:$0x3FA7] =	sst s5  }
0xe: {  	[smem:$0x3FA8] =	sst s6  }
0xf: {  	[smem:$0x3FA9] =	sst s7  }
0x10: {  	[smem:$0x3FAA] =	sst s8  }
0x11: {  	[smem:$0x3FAB] =	sst s9;
	s0 =	simm.s32 @!p0 $0x0  }
0x12: {  	s1 =	sld [smem:$0x3F91];
	s0 =	simm.s32 @p0 $0x1  }
0x13: {  	[smem:$0x3FAC] =	sst s0;
	s0 =	simm.s32 @!p1 $0x0  }
0x14: {  	s2 =	sld [smem:$0x3F90];
	s0 =	simm.s32 @p1 $0x1  }
0x15: {  	[smem:$0x3FAD] =	sst s0;
	s0 =	simm.s32 @!p2 $0x0  }
0x16: {  	s3 =	sld [smem:$0x3FDB];
	s0 =	simm.s32 @p2 $0x1  }
0x17: {  	s4 =	simm.s32 $0x1BF5;
	[smem:$0x3FAF] =	sst s0  }
0x18: {  	s0 =	sld [smem:$0x3F92];
	_ =	swait.ge [sflag:s4], $0x0  }
0x19: {  	s7 =	sld [smem:$0x3F93]  }
0x1a: {  	s8 =	sadd.s32 $0xFFFFE003, lr  }
0x1b: {  	s9 =	sadd.s32 $0xFFFFFEF7, lr;
	s5 =	simm.s32 $0xFFFFFFFF;
	p2 =	slt.u32 s8, $0xFFFFF086  }
0x1c: {  	p1 =	slt.u32 s9, $0xF7A;
	s5 =	simm.s32 @!p2 $0x0  }
0x1d: {  	s5 =	simm.s32 @p1 $0x1;
	p0 =	seq.s32 s7, s2  }
0x1e: {  	s7 =	smul.u32 @!p0 $0xF7A, s2;
	p2 =	seq.s32 @!p0 s5, $0x0  }
0x1f: {  	s9 =	smul.u32 $0xF7A, s1;
	s8 =	simm.s32 @!p0 $0x1BF5;
	p2 =	por !p2, p0  }
0x20: {  	[sflag:s8] =	ssyncset.s32 @!p0 $0xFFFFF086;
	s6 =	sadd.s32 @!p0 s3, s7;
	s7 =	simm.s32 @!p0 $0x108  }
0x21: {  	s3 =	sadd.s32 s3, s9;
	s6 =	sadd.s32 @!p0 $0x88, s6;
	s7 =	simm.s32 @p2 $0x1082  }
0x22: {  	[simem:s7], [sflag:s8] =	dma.local @!p0 [hbm:s6], $0xF7A  }
0x23: {  	s9 =	sor.u32 $0xD0000000, s2;
	s6 =	simm.s32 $0x108;
	_ =	swait.ge @!p0 [sflag:s8], $0x0  }
0x24: {  	s3 =	sadd.s32 $0x88, s3;
	s6 =	simm.s32 @!p1 $0x1082;
	[sflag:s4] =	ssyncset.s32 $0xFFFFF086  }
0x25: {  	[simem:s6], [sflag:s4] =	dma.local [hbm:s3], $0xF7A  }
0x26: {  	[smem:$0x3F93] =	sst s1;
	(tag) =	ssettag s2;
	_ =	strace s9  }
0x27: {  	s1 =	sld [smem:$0x3FA3]  }
0x28: {  	s2 =	sld [smem:$0x3FA4]  }
0x29: {  	s4 =	sld [smem:$0x3FA6]  }
0x2a: {  	p0 =	seq.s32 s5, $0x0;
	s5 =	sld [smem:$0x3FA7]  }
0x2b: {  	s6 =	sld [smem:$0x3FA8]  }
0x2c: {  	s7 =	sld [smem:$0x3FA9]  }
0x2d: {  	s3 =	simm.s32 $0x108;
	s8 =	sld [smem:$0x3FAA]  }
0x2e: {  	s3 =	simm.s32 @!p0 $0x1082;
	s9 =	sld [smem:$0x3FAB]  }
0x2f: {  	lr =	sadd.s32 s0, s3;
	s0 =	sld [smem:$0x3FA2]  }
0x30: {  	s3 =	sld [smem:$0x3FA5]  }
0x31: {  	[smem:$0x3FAE] =	sst s10  }
0x32: {  	s10 =	sld [smem:$0x3FAC];
	_ =	sdelay $0x3  }
0x33: {  	p0 =	seq.s32 s10, $0x1;
	s10 =	sld [smem:$0x3FAE];
	_ =	sdelay $0x3  }
0x34: {  	[smem:$0x3FAE] =	sst s10  }
0x35: {  	s10 =	sld [smem:$0x3FAD];
	_ =	sdelay $0x3  }
0x36: {  	p1 =	seq.s32 s10, $0x1;
	s10 =	sld [smem:$0x3FAE];
	_ =	sdelay $0x3  }
0x37: {  	[smem:$0x3FAE] =	sst s10  }
0x38: {  	s10 =	sld [smem:$0x3FAF]  }
0x39: {  	_ = 	snop;
	(pc) =	sbr.ind lr, $3  }
0x3a: {  	_ = 	snop  }
0x3b: {  	_ = 	snop  }
0x3c: {  	p2 =	seq.s32 s10, $0x1;
	s10 =	sld [smem:$0x3FAE]  }
0x3d: {  	_ =	shalt  }
0x3e: {  	_ =	shalt  }
0x3f: {  	_ =	shalt  }
0x40: {  	_ =	shalt  }
0x41: {  	_ =	shalt  }
0x42: {  	_ =	shalt  }
0x43: {  	_ =	shalt  }
0x44: {  	_ =	shalt  }
0x45: {  	_ =	shalt  }
0x46: {  	_ =	shalt  }
0x47: {  	_ =	shalt  }
0x48: {  	_ =	shalt  }
0x49: {  	_ =	shalt  }
0x4a: {  	_ =	shalt  }
0x4b: {  	_ =	shalt  }
0x4c: {  	_ =	shalt  }
0x4d: {  	_ =	shalt  }
0x4e: {  	_ =	shalt  }
0x4f: {  	_ =	shalt  }
0x50: {  	_ =	shalt  }
0x51: {  	_ =	shalt  }
0x52: {  	_ =	shalt  }
0x53: {  	_ =	shalt  }
0x54: {  	_ =	shalt  }
0x55: {  	_ =	shalt  }
0x56: {  	_ =	shalt  }
0x57: {  	_ =	shalt  }
0x58: {  	_ =	shalt  }
0x59: {  	_ =	shalt  }
0x5a: {  	_ =	shalt  }
0x5b: {  	_ =	shalt  }
0x5c: {  	_ =	shalt  }
0x5d: {  	_ =	shalt  }
0x5e: {  	_ =	shalt  }
0x5f: {  	_ =	shalt  }
0x60: {  	_ =	shalt  }
0x61: {  	_ =	shalt  }
0x62: {  	_ =	shalt  }
0x63: {  	_ =	shalt  }
0x64: {  	_ =	shalt  }
0x65: {  	_ =	shalt  }
0x66: {  	_ =	shalt  }
0x67: {  	_ =	shalt  }
0x68: {  	_ =	shalt  }
0x69: {  	_ =	shalt  }
0x6a: {  	_ =	shalt  }
0x6b: {  	_ =	shalt  }
0x6c: {  	_ =	shalt  }
0x6d: {  	_ =	shalt  }
0x6e: {  	_ =	shalt  }
0x6f: {  	_ =	shalt  }
0x70: {  	_ =	shalt  }
0x71: {  	_ =	shalt  }
0x72: {  	_ =	shalt  }
0x73: {  	_ =	shalt  }
0x74: {  	_ =	shalt  }
0x75: {  	_ =	shalt  }
0x76: {  	_ =	shalt  }
0x77: {  	_ =	shalt  }
0x78: {  	_ =	shalt  }
0x79: {  	_ =	shalt  }
0x7a: {  	_ =	shalt  }
0x7b: {  	_ =	shalt  }
0x7c: {  	_ =	shalt  }
0x7d: {  	_ =	shalt  }
0x7e: {  	_ =	shalt  }
0x7f: {  	_ =	shalt  }
0x80: {  	_ =	shalt  }
0x81: {  	_ =	shalt  }
0x82: {  	_ =	shalt  }
0x83: {  	_ =	shalt  }
0x84: {  	_ =	shalt  }
0x85: {  	_ =	shalt  }
0x86: {  	_ =	shalt  }
0x87: {  	_ =	shalt  }
.Lfunc_end0:
.L_simem_size_0:
called_computation_lowered:
.L_overlay_start_0:
0x88: {  	s2 =	sld [smem:$0x3FD9]  }
0x89: {  	s3 =	sld [smem:$0x3FFE];
	_ =	sdelay $0x1  }
0x8a: {  	s1 =	srdreg.scid  }
0x8b: {  	s0 =	sand.u32 $0x1, s1  }
0x8c: {  	s17 =	sshll.u32 s0, $0xA;
	s2 =	sadd.s32 s3, s2  }
0x8d: {  	s2 =	sadd.s32 s2, s17  }
0x8e: {  	[smem:$0x3FBA] =	sst s2  }
0x8f: {  	_ = 	snop  }
0x90: {  	s2 =	sld [smem:$0x3FC6];
	(tm) =	ssettm $0x1  }
0x91: {  	s18 =	sld [smem:$0x3FFB];
	_ =	sdelay $0x3  }
0x92: {  	_ =	strace s18  }
0x93: {  	s3 =	sld [smem:$0x3FFC];
	_ =	sdelay $0x3  }
0x94: {  	_ =	strace s3  }
0x95: {  	s3 =	sld [smem:$0x3FFD];
	_ =	sdelay $0x3  }
0x96: {  	_ =	strace s3  }
0x97: {  	_ =	strace $0x8FFFFFFF  }
0x98: {  	s19 =	sld [smem:$0x3FDB];
	_ =	sdelay $0x1  }
0x99: {  	s4 =	simm.s32 $_scs_section_size  }
0x9a: {  	s5 =	simm.s32 $_size__tile_overlayer_lowered;
	s6 =	simm.s32 $_tile_overlayer_lowered  }
0x9b: {  	s22 =	simm.s32 $0x1BFF;
	s21 =	sshll.u32 s6, $0x1;
	s3 =	sadd.s32 s4, s19  }
0x9c: {  	s7 =	simm.s32 $0x0;
	s20 =	sshll.u32 s5, $0x1;
	s5 =	sadd.s32 s21, s3  }
0x9d: {  	[timem:s7], [sflag:s22] =	dma.local [hbm:s5], s20  }
0x9e: {  	_ =	swait.ge [sflag:s22], s20  }
0x9f: {  	s4 =	ssub.s32 $0x0, s20;
	[sflag:s22] =	ssyncset.done $0x0  }
0xa0: {  	[sflag:s22] =	ssyncadd.s32 s4;
	_ =	sdelay $0x1  }
0xa1: {  	s23 =	simm.s32 $0x1B8B  }
0xa2: {  	_ =	swait.ge [sflag:s23], $0x1  }
0xa3: {  	[sflag:s23] =	ssyncset.done $0x0  }
0xa4: {  	s25 =	simm.s32 $0x1B8E;
	s24 =	sld [smem:$0x3FFE];
	[sflag:s23] =	ssyncadd.s32 $0xFFFFFFFF  }
0xa5: {  	s26 =	simm.s32 $execute0_lowered;
	[smem:$0x3FD2] =	sst s25  }
0xa6: {  	s5 =	sshll.u32 s26, $0x1;
	_ =	strace $0x80000046;
	[dreg:$0x1] =	wrdreg $0xFFFFFFFF  }
0xa7: {  	s28 =	simm.s32 $_size_execute0_lowered;
	s3 =	sadd.s32 s3, s5;
	[dreg:$0x0] =	wrdreg $0x0  }
0xa8: {  	s5 =	sshll.u32 s28, $0x1;
	[dreg:$0x2] =	wrdreg s3  }
0xa9: {  	[dreg:$0x3] =	wrdreg s5  }
0xaa: {  	[dreg:$0x4] =	wrdreg $0xC0  }
0xab: {  	_ =	task [dreg:s7], $0x5FFFF  }
0xac: {  	[dreg:$0x1] =	wrdreg $0xFFFFFFFF  }
0xad: {  	[dreg:$0x0] =	wrdreg $0x60  }
0xae: {  	[dreg:$0x2] =	wrdreg s2  }
0xaf: {  	[dreg:$0x3] =	wrdreg s24  }
0xb0: {  	[dreg:$0x4] =	wrdreg $0x54000  }
0xb1: {  	[dreg:$0x5] =	wrdreg $0x9  }
0xb2: {  	_ =	task.clear_ibuf [dreg:s7], $0x6FFFF;
	_ =	strace $0x90000046  }
0xb3: {  	s29 =	simm.s32 $0x9;
	_ =	strace $0x80000048  }
0xb4: {  	_ =	swait.ge [sflag:s29], $0x1  }
0xb5: {  	[sflag:s29] =	ssyncadd.s32 $0xFFFFFFFF  }
0xb6: {  	_ =	strace $0x90000048  }
0xb7: {  	_ =	sfence  }
0xb8: {  	s30 =	sld [smem:$0x0];
	_ =	sdelay $0x2  }
0xb9: {  	s31 =	sshll.u32 s1, $0xD;
	s1 =	sshrl.u32 s1, $0x2  }
0xba: {  	s3 =	sand.u32 $0x4000, s31;
	s1 =	sadd.s32 s1, s30  }
0xbb: {  	s0 =	sor.u32 s3, s0;
	s1 =	sshll.u32 s1, $0x11  }
0xbc: {  	s0 =	sor.u32 s1, s0  }
0xbd: {  	s0 =	sadd.s32 $0x8F2B, s0  }
0xbe: {  	[sflag:s0] =	ssyncadd.remote.s32 $0x1  }
0xbf: {  	_ =	sfence.sel $0xFFFF  }
0xc0: {  	[dreg:$0x0] =	wrdreg $0xFFFFFFFF;
	(pc) =	sbr.abs _section_cstart, $3  }
0xc1: {  	[dreg:$0x1] =	wrdreg $0xFFFFFFFF  }
0xc2: {  	_ =	task.clear_ibuf [dreg:s7], $0x2FFFF;
	_ =	strace $0x9FFFFFFF  }
0xc3: {  	(tm) =	ssettm $0x7FFFFFFF  }
tec
execute0_lowered:
.L_overlay_start_1:
0x0: {  	(tag) =	ssettag $0x1  }
0x1: {  	s1 =	rddreg [dreg:$0x0]  }
0x2: {  	s7 =	rddreg [dreg:$0x1]  }
0x3: {  	s2 =	rddreg [dreg:$0x2];
	s3 =	srdreg.scid  }
0x4: {  	s0 =	rddreg [dreg:$0x3];
	s4 =	simm.s32 $0x0;
	s14 =	simm.s32 $0x5080  }
0x5: {  	s15 =	simm.s32 $0x80;
	s16 =	simm.s32 $0x5100;
	s17 =	simm.s32 $0x50  }
0x6: {  	s18 =	simm.s32 $0x2880;
	s19 =	simm.s32 $0x1;
	s21 =	simm.s32 $0x20  }
0x7: {  	s22 =	simm.s32 $0x10;
	s8 =	sand.u32 $0x1, s3;
	s3 =	stileid.u32  }
0x8: {  	s23 =	simm.s32 $0x0;
	[smem:$0x7FF] =	sst s4;
	s6 =	smul.u32 $0x5100, s8  }
0x9: {  	s5 =	sadd.s32 $0x4000, s7;
	s9 =	smul.u32 $0x500, s3;
	_ =	strace $0x80000047  }
0xa: {  	s10 =	sshll.u32 s8, $0x7;
	s30 =	ssub.s32 $0x2, s8;
	s12 =	smul.u32 $0xA00, s3  }
0xb: {  	s8 =	sshll.u32 s8, $0x4;
	s13 =	smul.u32 $0x510, s3;
	s20 =	sshll.u32 s3, $0x6  }
0xc: {  	s31 =	sshrl.u32 s30, $0x1;
	s8 =	sor.u32 s3, s8;
	s20 =	sor.u32 $0x1C02, s20  }
0xd: {  	s11 =	sadd.s32 s6, s7;
	s29 =	sor.u32 s10, s9;
	s6 =	sadd.s32 $0x11000, s7  }
0xe: {  	s12 =	sshrl.u32 s12, $0x2;
	s10 =	ssub.s32 s30, s31;
	s8 =	smul.u32 $0x140, s8  }
0xf: {  	s9 =	sshrl.u32 s29, $0x3;
	s11 =	sadd.s32 s13, s11;
	s10 =	smax.u32 s10, $0x1  }
0x10: {  	s13 =	simm.s32 $0x2;
	s9 =	sadd.s32 s9, s7;
	s7 =	sadd.s32 s12, s2  }
0x11: {  	v0 =	vimm.f32 $0.0e+00;
	v1 =	vimm.f32 $1.000000000e+00;
	s11 =	sadd.s32 $0x6E00, s11;
	s12 =	simm.s32 $0x5180;
	s9 =	sadd.s32 $0x39000, s9  }
.LBB2_1:
0x12: {  	[tilespmem:$0x5180] =	vst v0  }
0x13: {  	[tilespmem:$0x5190] =	vst v0  }
0x14: {  	[tilespmem:$0x51A0] =	vst v0  }
0x15: {  	[tilespmem:$0x51B0] =	vst v0  }
0x16: {  	[tilespmem:$0x51C0] =	vst v0  }
0x17: {  	[tilespmem:$0x51D0] =	vst v0  }
0x18: {  	[tilespmem:$0x51E0] =	vst v0  }
0x19: {  	[tilespmem:$0x51F0] =	vst v0  }
0x1a: {  	[tilespmem:$0x5200] =	vst v0  }
0x1b: {  	[tilespmem:$0x5210] =	vst v0  }
0x1c: {  	[tilespmem:$0x5220] =	vst v0  }
0x1d: {  	[tilespmem:$0x5230] =	vst v0  }
0x1e: {  	[tilespmem:$0x5240] =	vst v0  }
0x1f: {  	[tilespmem:$0x5250] =	vst v0  }
0x20: {  	[tilespmem:$0x5260] =	vst v0  }
0x21: {  	[tilespmem:$0x5270] =	vst v0  }
0x22: {  	[tilespmem:$0x5280] =	vst v0  }
0x23: {  	[tilespmem:$0x5290] =	vst v0  }
0x24: {  	[tilespmem:$0x52A0] =	vst v0  }
0x25: {  	[tilespmem:$0x52B0] =	vst v0  }
0x26: {  	[tilespmem:$0x52C0] =	vst v0  }
0x27: {  	[tilespmem:$0x52D0] =	vst v0  }
0x28: {  	[tilespmem:$0x52E0] =	vst v0  }
0x29: {  	[tilespmem:$0x52F0] =	vst v0  }
0x2a: {  	[tilespmem:$0x5300] =	vst v0  }
0x2b: {  	[tilespmem:$0x5310] =	vst v0  }
0x2c: {  	[tilespmem:$0x5320] =	vst v0  }
0x2d: {  	[tilespmem:$0x5330] =	vst v0  }
0x2e: {  	[tilespmem:$0x5340] =	vst v0  }
0x2f: {  	[tilespmem:$0x5350] =	vst v0  }
0x30: {  	[tilespmem:$0x5360] =	vst v0  }
0x31: {  	[tilespmem:$0x5370] =	vst v0  }
0x32: {  	[tilespmem:$0x5380] =	vst v0  }
0x33: {  	[tilespmem:$0x5390] =	vst v0  }
0x34: {  	[tilespmem:$0x53A0] =	vst v0  }
0x35: {  	[tilespmem:$0x53B0] =	vst v0  }
0x36: {  	[tilespmem:$0x53C0] =	vst v0  }
0x37: {  	[tilespmem:$0x53D0] =	vst v0  }
0x38: {  	[tilespmem:$0x53E0] =	vst v0  }
0x39: {  	[tilespmem:$0x53F0] =	vst v0  }
0x3a: {  	[tilespmem:$0x5100] =	vst v1  }
0x3b: {  	[tilespmem:$0x5110] =	vst v1  }
0x3c: {  	[tilespmem:$0x5120] =	vst v1  }
0x3d: {  	[tilespmem:$0x5130] =	vst v1  }
0x3e: {  	[tilespmem:$0x5140] =	vst v1  }
0x3f: {  	[tilespmem:$0x5150] =	vst v1  }
0x40: {  	[tilespmem:$0x5160] =	vst v1  }
0x41: {  	[tilespmem:$0x5170] =	vst v1  }
0x42: {  	[spmem:s7] =	stream.linear.scatter [tilespmem:s12], [sflag:$0x2], $0x280, $0x38;
	[tilespmem:$0x5680] =	vst v63  }
0x43: {  	_ =	swait.ge [sflag:s13], $0x280  }
0x44: {  	[sflag:s13] =	ssyncset.done $0x0  }
0x45: {  	[sflag:s13] =	ssyncadd.s32 $0xFFFFFD80  }
0x46: {  	s24 =	sadd.s32 $0x0, s11;
	[bflag:$0x0] =	sbarrier.arrive $0xFFFF  }
0x47: {  	[tilespmem:s14], [sflag:$0x2] =	stream.linear.gather [hbm4b:s24+s4], $0x80, $0x38;
	[tilespmem:$0x5680] =	vst v63  }
0x48: {  	_ =	swait.ge [sflag:s13], $0x80  }
0x49: {  	[sflag:s13] =	ssyncset.done $0x0  }
0x4a: {  	[sflag:s13] =	ssyncadd.s32 $0xFFFFFF80  }
0x4b: {  	[spmem:s2] =	stream.indirect.scatter.add.f32 [tilespmem:s16], [sflag:$0x2], $0x1, s14, s15, $0xb8;
	[tilespmem:$0x5680] =	vst v63  }
0x4c: {  	_ =	swait.ge [sflag:s13], $0x80  }
0x4d: {  	s26 =	sadd.s32 $0x10, s11;
	s25 =	simm.s32 $0x20;
	[sflag:s13] =	ssyncset.done $0x0  }
.LBB2_2:
0x4e: {  	s28 =	sadd.s32 s25, s11;
	s24 =	simm.s32 $0x0;
	[sflag:s13] =	ssyncadd.s32 $0xFFFFFF80  }
0x4f: {  	[tilespmem:s14], [sflag:$0x2] =	stream.linear.gather [hbm4b:s26+s24], $0x80, $0x38;
	[tilespmem:$0x5680] =	vst v63  }
0x50: {  	p0 =	sne.s32 s25, $0x500;
	s25 =	sadd.s32 $0x10, s25;
	_ =	swait.ge [sflag:s13], $0x80  }
.Ltmp0:
0x51: {  	s26 =	smov.u32 s28;
	[sflag:s13] =	ssyncset.done $0x0;
	(pc) =	sbr.rel @p0 .LBB2_2-.Ltmp0, $4  }
0x52: {  	[sflag:s13] =	ssyncadd.s32 $0xFFFFFF80  }
0x53: {  	[spmem:s2] =	stream.indirect.scatter.add.f32 [tilespmem:s16], [sflag:$0x2], $0x1, s14, s15, $0xb8;
	[tilespmem:$0x5680] =	vst v63  }
0x54: {  	_ =	swait.ge [sflag:s13], $0x80  }
0x55: {  	[sflag:s13] =	ssyncset.done $0x0  }
0x56: {  	[sflag:s13] =	ssyncadd.s32 $0xFFFFFF80  }
0x57: {  	[tilespmem:s14], [sflag:$0x2] =	stream.linear.gather [hbm4b:s26+s24], $0x80, $0x38;
	[tilespmem:$0x5680] =	vst v63  }
0x58: {  	_ =	swait.ge [sflag:s13], $0x80  }
0x59: {  	[sflag:s13] =	ssyncset.done $0x0  }
0x5a: {  	[sflag:s13] =	ssyncadd.s32 $0xFFFFFF80  }
0x5b: {  	[spmem:s2] =	stream.indirect.scatter.add.f32 [tilespmem:s16], [sflag:$0x2], $0x1, s14, s15, $0xb8;
	[tilespmem:$0x5680] =	vst v63  }
0x5c: {  	_ =	swait.ge [sflag:s13], $0x80  }
0x5d: {  	[sflag:s13] =	ssyncset.done $0x0  }
0x5e: {  	[sflag:s13] =	ssyncadd.s32 $0xFFFFFF80  }
.LBB2_4:
0x5f: {  	s25 =	smul.u32 $0x50, s24;
	_ =	sdelay $0x1  }
0x60: {  	s25 =	sadd.s32 s8, s25  }
0x61: {  	s26 =	sshrl.u32 s25, $0x3  }
0x62: {  	s26 =	sadd.s32 s5, s26  }
0x63: {  	[tilespmem:s4], [sflag:$0x2] =	stream.linear.gather [hbm4b:s26+s4], $0x50, $0x38;
	[tilespmem:$0x5680] =	vst v63  }
0x64: {  	_ =	swait.ge [sflag:s13], $0x50  }
0x65: {  	[sflag:s13] =	ssyncset.done $0x0  }
0x66: {  	s26 =	simm.s32 $0x1;
	[sflag:s13] =	ssyncadd.s32 $0xFFFFFFB0  }
0x67: {  	[tilespmem:s15], [sflag:$0x1] =	stream.indirect.gather [hbm4b:s1+s17], $0x80, s4, s17, $0xb8;
	[tilespmem:$0x5680] =	vst v63  }
0x68: {  	_ =	swait.ge [sflag:s26], $0x2800  }
0x69: {  	[sflag:s26] =	ssyncset.done $0x0  }
0x6a: {  	[sflag:s26] =	ssyncadd.s32 $0xFFFFD800  }
.LBB2_5:
0x6b: {  	s28 =	smul.u32 $0x2800, s26;
	_ =	sdelay $0x1  }
0x6c: {  	s28 =	sadd.s32 s25, s28  }
0x6d: {  	s28 =	sshrl.u32 s28, $0x3  }
0x6e: {  	s29 =	simm.s32 $0x0;
	s28 =	sadd.s32 s5, s28  }
0x6f: {  	[tilespmem:s29], [sflag:$0x2] =	stream.linear.gather [hbm4b:s28+s29], $0x50, $0x38;
	[tilespmem:$0x5680] =	vst v63  }
0x70: {  	_ =	swait.ge [sflag:s13], $0x50  }
0x71: {  	[sflag:s13] =	ssyncset.done $0x0  }
0x72: {  	[sflag:s13] =	ssyncadd.s32 $0xFFFFFFB0  }
0x73: {  	[tilespmem:s18], [sflag:$0x1] =	stream.indirect.gather [hbm4b:s1+s17], $0x80, s29, s17, $0xb8;
	[tilespmem:$0x5680] =	vst v63  }
0x74: {  	_ =	swait.ge [sflag:s19], $0x2800  }
0x75: {  	[sflag:s19] =	ssyncset.done $0x0  }
0x76: {  	s28 =	simm.s32 $0x0;
	[sflag:s19] =	ssyncadd.s32 $0xFFFFD800  }
0x77: {  	v9 =	vld [tilespmem:s28+$0x2880]  }
0x78: {  	v13 =	vld [tilespmem:s28+$0x2890]  }
0x79: {  	v7 =	vld [tilespmem:s28+$0x28A0]  }
0x7a: {  	v6 =	vld [tilespmem:s28+$0x28B0]  }
0x7b: {  	v5 =	vld [tilespmem:s28+$0x28C0]  }
0x7c: {  	v4 =	vld [tilespmem:s28+$0x28D0]  }
0x7d: {  	v3 =	vld [tilespmem:s28+$0x28E0]  }
0x7e: {  	v2 =	vld [tilespmem:s28+$0x28F0]  }
0x7f: {  	v14 =	vld [tilespmem:s28+$0x80]  }
0x80: {  	v15 =	vld [tilespmem:s28+$0x90]  }
0x81: {  	v12 =	vld [tilespmem:s28+$0xA0]  }
0x82: {  	v11 =	vld [tilespmem:s28+$0xB0]  }
0x83: {  	v10 =	vld [tilespmem:s28+$0xC0]  }
0x84: {  	v8 =	vld [tilespmem:s28+$0xD0];
	v14 =	vadd.f32 v9, v14  }
0x85: {  	s29 =	simm.s32 $0x200;
	v13 =	vadd.f32 v13, v15;
	v9 =	vld [tilespmem:s28+$0xE0]  }
.LBB2_6:
0x86: {  	s30 =	sshra.s32 s29, $0x2;
	p0 =	sne.s32 s29, $0x9E00;
	[tilespmem:s28+$0x80] =	vst v14;
	v7 =	vadd.f32 v7, v12;
	v12 =	vld [tilespmem:s28+$0xF0]  }
0x87: {  	v14 =	vld [tilespmem:s30+$0x2880];
	[tilespmem:s28+$0x90] =	vst v13;
	v6 =	vadd.f32 v6, v11  }
0x88: {  	v13 =	vld [tilespmem:s30+$0x2890];
	[tilespmem:s28+$0xA0] =	vst v7;
	v5 =	vadd.f32 v5, v10  }
0x89: {  	v7 =	vld [tilespmem:s30+$0x28A0];
	[tilespmem:s28+$0xB0] =	vst v6;
	v4 =	vadd.f32 v4, v8  }
0x8a: {  	v6 =	vld [tilespmem:s30+$0x28B0];
	[tilespmem:s28+$0xC0] =	vst v5;
	v3 =	vadd.f32 v3, v9  }
0x8b: {  	v5 =	vld [tilespmem:s30+$0x28C0];
	[tilespmem:s28+$0xD0] =	vst v4;
	v2 =	vadd.f32 v2, v12  }
0x8c: {  	v4 =	vld [tilespmem:s30+$0x28D0];
	[tilespmem:s28+$0xE0] =	vst v3  }
0x8d: {  	v3 =	vld [tilespmem:s30+$0x28E0];
	[tilespmem:s28+$0xF0] =	vst v2;
	s28 =	smov.u32 s30  }
0x8e: {  	v2 =	vld [tilespmem:s28+$0x28F0]  }
0x8f: {  	v8 =	vld [tilespmem:s28+$0x80]  }
0x90: {  	v9 =	vld [tilespmem:s28+$0x90]  }
.Ltmp1:
0x91: {  	v12 =	vld [tilespmem:s28+$0xA0];
	(pc) =	sbr.rel @p0 .LBB2_6-.Ltmp1, $4  }
0x92: {  	v11 =	vld [tilespmem:s28+$0xB0]  }
0x93: {  	v10 =	vld [tilespmem:s28+$0xC0]  }
0x94: {  	v14 =	vadd.f32 v14, v8;
	v8 =	vld [tilespmem:s28+$0xD0]  }
0x95: {  	s29 =	sadd.s32 $0x200, s29;
	v13 =	vadd.f32 v13, v9;
	v9 =	vld [tilespmem:s28+$0xE0]  }
0x96: {  	[tilespmem:s28+$0x80] =	vst v14;
	v7 =	vadd.f32 v7, v12;
	v63 =	vld [tilespmem:s28+$0xF0]  }
0x97: {  	s26 =	sadd.s32 $0x1, s26;
	[tilespmem:s28+$0x90] =	vst v13;
	v6 =	vadd.f32 v6, v11  }
0x98: {  	p0 =	sne.s32 s26, $0x9;
	[tilespmem:s28+$0xA0] =	vst v7;
	v5 =	vadd.f32 v5, v10  }
.Ltmp2:
0x99: {  	[tilespmem:s28+$0xB0] =	vst v6;
	v4 =	vadd.f32 v4, v8;
	(pc) =	sbr.rel @p0 .LBB2_5-.Ltmp2, $4  }
0x9a: {  	[tilespmem:s28+$0xC0] =	vst v5;
	v3 =	vadd.f32 v3, v9  }
0x9b: {  	[tilespmem:s28+$0xD0] =	vst v4;
	v2 =	vadd.f32 v2, v63  }
0x9c: {  	[tilespmem:s28+$0xE0] =	vst v3  }
0x9d: {  	[tilespmem:s28+$0xF0] =	vst v2  }
0x9e: {  	s24 =	sadd.s32 $0x1, s24  }
0x9f: {  	s25 =	sshll.u32 s25, $0x4;
	p0 =	sne.s32 s24, $0x4  }
.Ltmp3:
0xa0: {  	s25 =	sadd.s32 s6, s25;
	(pc) =	sbr.rel @p0 .LBB2_4-.Ltmp3, $4  }
0xa1: {  	[hbm4b:s25+s4] =	stream.linear.scatter [tilespmem:s15], [sflag:$0x2], $0x2800, $0x38;
	[tilespmem:$0x5680] =	vst v63  }
0xa2: {  	_ =	swait.ge [sflag:s13], $0x2800  }
0xa3: {  	[sflag:s13] =	ssyncset.done $0x0  }
0xa4: {  	[sflag:s13] =	ssyncadd.s32 $0xFFFFD800  }
0xa5: {  	s23 =	sadd.s32 $0x1, s23  }
0xa6: {  	p0 =	sne.s32 s23, s10  }
.Ltmp4:
0xa7: {  	[bflag:$0x0] =	sbarrier.arrive $0xFFFF;
	s24 =	sshrl.u32 s7, $0x3;
	(pc) =	sbr.rel @p0 .LBB2_1-.Ltmp4, $4  }
0xa8: {  	[hbm:s9@s21], [sflag:s20] =	dma.strided [spmem:s24@s22], $0x50, s19, $0x10   }
0xa9: {  	_ =	swait.ge [sflag:s13], $0x50  }
0xaa: {  	[sflag:s13] =	ssyncset.done $0x0  }
0xab: {  	[sflag:s13] =	ssyncadd.s32 $0xFFFFFFB0  }
0xac: {  	_ =	sfence.sel $0x180000  }
0xad: {  	[bflag:$0x0] =	sbarrier.arrive $0xFFFF  }
0xae: {  	p0 =	sne.s32 s3, $0x0;
	_ =	strace $0x90000047  }
0xaf: {  	s0 =	sadd.s32 @!p0 $0x100000, s0;
	[bflag:$0x2] =	sbarrier.arrive $0xFFFF  }
0xb0: {  	[sflag:s0] =	ssyncadd.tile.s32 @!p0 $0x1;
	_ =	shalt  }
.Lfunc_end2:
_tile_overlayer_lowered:
.L_overlay_start_2:
0xb1: {  	(tag) =	ssettag $0x2  }
0xb2: {  	s0 =	rddreg [dreg:$0x0];
	s2 =	stileid.u32  }
0xb3: {  	s1 =	rddreg [dreg:$0x1];
	p0 =	sne.s32 s2, $0x0  }
0xb4: {  	s3 =	rddreg [dreg:$0x2];
	[bflag:$0x3] =	sbarrier.arrive $0xFFFF;
	s2 =	simm.s32 @!p0 $0x1C02  }
0xb5: {  	[timem:s3], [sflag:s2] =	dma.local @!p0 [hbm:s0], s1  }
0xb6: {  	s0 =	simm.s32 @!p0 $0x2  }
0xb7: {  	_ =	swait.ge @!p0 [sflag:s0], s1  }
0xb8: {  	s1 =	ssub.s32 @!p0 $0x0, s1;
	[sflag:s0] =	ssyncset.done @!p0 $0x0  }
0xb9: {  	[sflag:s0] =	ssyncadd.s32 @!p0 s1  }
0xba: {  	[bflag:$0x3] =	sbarrier.arrive $0xFFFF  }
0xbb: {  	_ =	shalt  }

// kernel: kernel.15.cloned.1.call-start
scs
__scs_entry_jumppad:
0x0: {  	(pc) =	sbr.rel $0x88, $3  }
0x1: {  	(tag) =	ssettag $0x0;
	lr =	simm.s32 $0x1  }
0x2: {  	[smem:$0x3F93] =	sst lr;
	_ =	strace $0xD0000000  }
0x3: {  	_ = 	snop  }
0x4: {  	_ = 	snop  }
0x5: {  	_ = 	snop  }
0x6: {  	_ = 	snop  }
0x7: {  	_ = 	snop  }
__scs_overlays_trampoline_lowered:
0x8: {  	[smem:$0x3FA2] =	sst s0  }
0x9: {  	[smem:$0x3FA3] =	sst s1  }
0xa: {  	[smem:$0x3FA4] =	sst s2  }
0xb: {  	[smem:$0x3FA5] =	sst s3  }
0xc: {  	[smem:$0x3FA6] =	sst s4  }
0xd: {  	[smem:$0x3FA7] =	sst s5  }
0xe: {  	[smem:$0x3FA8] =	sst s6  }
0xf: {  	[smem:$0x3FA9] =	sst s7  }
0x10: {  	[smem:$0x3FAA] =	sst s8  }
0x11: {  	[smem:$0x3FAB] =	sst s9;
	s0 =	simm.s32 @!p0 $0x0  }
0x12: {  	s1 =	sld [smem:$0x3F91];
	s0 =	simm.s32 @p0 $0x1  }
0x13: {  	[smem:$0x3FAC] =	sst s0;
	s0 =	simm.s32 @!p1 $0x0  }
0x14: {  	s2 =	sld [smem:$0x3F90];
	s0 =	simm.s32 @p1 $0x1  }
0x15: {  	[smem:$0x3FAD] =	sst s0;
	s0 =	simm.s32 @!p2 $0x0  }
0x16: {  	s3 =	sld [smem:$0x3FDB];
	s0 =	simm.s32 @p2 $0x1  }
0x17: {  	s4 =	simm.s32 $0x1BF5;
	[smem:$0x3FAF] =	sst s0  }
0x18: {  	s0 =	sld [smem:$0x3F92];
	_ =	swait.ge [sflag:s4], $0x0  }
0x19: {  	s7 =	sld [smem:$0x3F93]  }
0x1a: {  	s8 =	sadd.s32 $0xFFFFE003, lr  }
0x1b: {  	s9 =	sadd.s32 $0xFFFFFEF7, lr;
	s5 =	simm.s32 $0xFFFFFFFF;
	p2 =	slt.u32 s8, $0xFFFFF086  }
0x1c: {  	p1 =	slt.u32 s9, $0xF7A;
	s5 =	simm.s32 @!p2 $0x0  }
0x1d: {  	s5 =	simm.s32 @p1 $0x1;
	p0 =	seq.s32 s7, s2  }
0x1e: {  	s7 =	smul.u32 @!p0 $0xF7A, s2;
	p2 =	seq.s32 @!p0 s5, $0x0  }
0x1f: {  	s9 =	smul.u32 $0xF7A, s1;
	s8 =	simm.s32 @!p0 $0x1BF5;
	p2 =	por !p2, p0  }
0x20: {  	[sflag:s8] =	ssyncset.s32 @!p0 $0xFFFFF086;
	s6 =	sadd.s32 @!p0 s3, s7;
	s7 =	simm.s32 @!p0 $0x108  }
0x21: {  	s3 =	sadd.s32 s3, s9;
	s6 =	sadd.s32 @!p0 $0x88, s6;
	s7 =	simm.s32 @p2 $0x1082  }
0x22: {  	[simem:s7], [sflag:s8] =	dma.local @!p0 [hbm:s6], $0xF7A  }
0x23: {  	s9 =	sor.u32 $0xD0000000, s2;
	s6 =	simm.s32 $0x108;
	_ =	swait.ge @!p0 [sflag:s8], $0x0  }
0x24: {  	s3 =	sadd.s32 $0x88, s3;
	s6 =	simm.s32 @!p1 $0x1082;
	[sflag:s4] =	ssyncset.s32 $0xFFFFF086  }
0x25: {  	[simem:s6], [sflag:s4] =	dma.local [hbm:s3], $0xF7A  }
0x26: {  	[smem:$0x3F93] =	sst s1;
	(tag) =	ssettag s2;
	_ =	strace s9  }
0x27: {  	s1 =	sld [smem:$0x3FA3]  }
0x28: {  	s2 =	sld [smem:$0x3FA4]  }
0x29: {  	s4 =	sld [smem:$0x3FA6]  }
0x2a: {  	p0 =	seq.s32 s5, $0x0;
	s5 =	sld [smem:$0x3FA7]  }
0x2b: {  	s6 =	sld [smem:$0x3FA8]  }
0x2c: {  	s7 =	sld [smem:$0x3FA9]  }
0x2d: {  	s3 =	simm.s32 $0x108;
	s8 =	sld [smem:$0x3FAA]  }
0x2e: {  	s3 =	simm.s32 @!p0 $0x1082;
	s9 =	sld [smem:$0x3FAB]  }
0x2f: {  	lr =	sadd.s32 s0, s3;
	s0 =	sld [smem:$0x3FA2]  }
0x30: {  	s3 =	sld [smem:$0x3FA5]  }
0x31: {  	[smem:$0x3FAE] =	sst s10  }
0x32: {  	s10 =	sld [smem:$0x3FAC];
	_ =	sdelay $0x3  }
0x33: {  	p0 =	seq.s32 s10, $0x1;
	s10 =	sld [smem:$0x3FAE];
	_ =	sdelay $0x3  }
0x34: {  	[smem:$0x3FAE] =	sst s10  }
0x35: {  	s10 =	sld [smem:$0x3FAD];
	_ =	sdelay $0x3  }
0x36: {  	p1 =	seq.s32 s10, $0x1;
	s10 =	sld [smem:$0x3FAE];
	_ =	sdelay $0x3  }
0x37: {  	[smem:$0x3FAE] =	sst s10  }
0x38: {  	s10 =	sld [smem:$0x3FAF]  }
0x39: {  	_ = 	snop;
	(pc) =	sbr.ind lr, $3  }
0x3a: {  	_ = 	snop  }
0x3b: {  	_ = 	snop  }
0x3c: {  	p2 =	seq.s32 s10, $0x1;
	s10 =	sld [smem:$0x3FAE]  }
0x3d: {  	_ =	shalt  }
0x3e: {  	_ =	shalt  }
0x3f: {  	_ =	shalt  }
0x40: {  	_ =	shalt  }
0x41: {  	_ =	shalt  }
0x42: {  	_ =	shalt  }
0x43: {  	_ =	shalt  }
0x44: {  	_ =	shalt  }
0x45: {  	_ =	shalt  }
0x46: {  	_ =	shalt  }
0x47: {  	_ =	shalt  }
0x48: {  	_ =	shalt  }
0x49: {  	_ =	shalt  }
0x4a: {  	_ =	shalt  }
0x4b: {  	_ =	shalt  }
0x4c: {  	_ =	shalt  }
0x4d: {  	_ =	shalt  }
0x4e: {  	_ =	shalt  }
0x4f: {  	_ =	shalt  }
0x50: {  	_ =	shalt  }
0x51: {  	_ =	shalt  }
0x52: {  	_ =	shalt  }
0x53: {  	_ =	shalt  }
0x54: {  	_ =	shalt  }
0x55: {  	_ =	shalt  }
0x56: {  	_ =	shalt  }
0x57: {  	_ =	shalt  }
0x58: {  	_ =	shalt  }
0x59: {  	_ =	shalt  }
0x5a: {  	_ =	shalt  }
0x5b: {  	_ =	shalt  }
0x5c: {  	_ =	shalt  }
0x5d: {  	_ =	shalt  }
0x5e: {  	_ =	shalt  }
0x5f: {  	_ =	shalt  }
0x60: {  	_ =	shalt  }
0x61: {  	_ =	shalt  }
0x62: {  	_ =	shalt  }
0x63: {  	_ =	shalt  }
0x64: {  	_ =	shalt  }
0x65: {  	_ =	shalt  }
0x66: {  	_ =	shalt  }
0x67: {  	_ =	shalt  }
0x68: {  	_ =	shalt  }
0x69: {  	_ =	shalt  }
0x6a: {  	_ =	shalt  }
0x6b: {  	_ =	shalt  }
0x6c: {  	_ =	shalt  }
0x6d: {  	_ =	shalt  }
0x6e: {  	_ =	shalt  }
0x6f: {  	_ =	shalt  }
0x70: {  	_ =	shalt  }
0x71: {  	_ =	shalt  }
0x72: {  	_ =	shalt  }
0x73: {  	_ =	shalt  }
0x74: {  	_ =	shalt  }
0x75: {  	_ =	shalt  }
0x76: {  	_ =	shalt  }
0x77: {  	_ =	shalt  }
0x78: {  	_ =	shalt  }
0x79: {  	_ =	shalt  }
0x7a: {  	_ =	shalt  }
0x7b: {  	_ =	shalt  }
0x7c: {  	_ =	shalt  }
0x7d: {  	_ =	shalt  }
0x7e: {  	_ =	shalt  }
0x7f: {  	_ =	shalt  }
0x80: {  	_ =	shalt  }
0x81: {  	_ =	shalt  }
0x82: {  	_ =	shalt  }
0x83: {  	_ =	shalt  }
0x84: {  	_ =	shalt  }
0x85: {  	_ =	shalt  }
0x86: {  	_ =	shalt  }
0x87: {  	_ =	shalt  }
.Lfunc_end0:
.L_simem_size_0:
called_computation.1_lowered:
.L_overlay_start_0:
0x88: {  	s2 =	sld [smem:$0x3FD9]  }
0x89: {  	s3 =	sld [smem:$0x3FFE];
	_ =	sdelay $0x1  }
0x8a: {  	s1 =	srdreg.scid  }
0x8b: {  	s0 =	sand.u32 $0x1, s1  }
0x8c: {  	s16 =	sshll.u32 s0, $0xA;
	s2 =	sadd.s32 s3, s2  }
0x8d: {  	s2 =	sadd.s32 s2, s16  }
0x8e: {  	[smem:$0x3FBA] =	sst s2  }
0x8f: {  	_ = 	snop  }
0x90: {  	(tm) =	ssettm $0x1  }
0x91: {  	s17 =	sld [smem:$0x3FFB];
	_ =	sdelay $0x3  }
0x92: {  	_ =	strace s17  }
0x93: {  	s2 =	sld [smem:$0x3FFC];
	_ =	sdelay $0x3  }
0x94: {  	_ =	strace s2  }
0x95: {  	s2 =	sld [smem:$0x3FFD];
	_ =	sdelay $0x3  }
0x96: {  	_ =	strace s2  }
0x97: {  	_ =	strace $0x8FFFFFFF  }
0x98: {  	s18 =	sld [smem:$0x3FDB];
	_ =	sdelay $0x1  }
0x99: {  	s19 =	simm.s32 $_scs_section_size  }
0x9a: {  	s4 =	simm.s32 $_size__tile_overlayer_lowered;
	s5 =	simm.s32 $_tile_overlayer_lowered  }
0x9b: {  	s22 =	simm.s32 $0x1BFF;
	s21 =	sshll.u32 s5, $0x1;
	s2 =	sadd.s32 s19, s18  }
0x9c: {  	s6 =	simm.s32 $0x0;
	s20 =	sshll.u32 s4, $0x1;
	s4 =	sadd.s32 s21, s2  }
0x9d: {  	[timem:s6], [sflag:s22] =	dma.local [hbm:s4], s20  }
0x9e: {  	_ =	swait.ge [sflag:s22], s20  }
0x9f: {  	s3 =	ssub.s32 $0x0, s20;
	[sflag:s22] =	ssyncset.done $0x0  }
0xa0: {  	[sflag:s22] =	ssyncadd.s32 s3;
	_ =	sdelay $0x1  }
0xa1: {  	s23 =	simm.s32 $0x1B8B  }
0xa2: {  	_ =	swait.ge [sflag:s23], $0x1  }
0xa3: {  	[sflag:s23] =	ssyncset.done $0x0  }
0xa4: {  	s25 =	simm.s32 $0x1B8E;
	s24 =	sld [smem:$0x3FFE];
	[sflag:s23] =	ssyncadd.s32 $0xFFFFFFFF  }
0xa5: {  	s26 =	simm.s32 $execute0_lowered;
	[smem:$0x3FD2] =	sst s25  }
0xa6: {  	s4 =	sshll.u32 s26, $0x1;
	_ =	strace $0x80000049;
	[dreg:$0x1] =	wrdreg $0xFFFFFFFF  }
0xa7: {  	s28 =	simm.s32 $_size_execute0_lowered;
	s2 =	sadd.s32 s2, s4;
	[dreg:$0x0] =	wrdreg $0x0  }
0xa8: {  	s4 =	sshll.u32 s28, $0x1;
	[dreg:$0x2] =	wrdreg s2  }
0xa9: {  	[dreg:$0x3] =	wrdreg s4  }
0xaa: {  	[dreg:$0x4] =	wrdreg $0xC0  }
0xab: {  	_ =	task [dreg:s6], $0x5FFFF  }
0xac: {  	[dreg:$0x1] =	wrdreg $0xFFFFFFFF  }
0xad: {  	[dreg:$0x0] =	wrdreg $0x60  }
0xae: {  	[dreg:$0x2] =	wrdreg s24  }
0xaf: {  	[dreg:$0x3] =	wrdreg $0x41000  }
0xb0: {  	[dreg:$0x4] =	wrdreg $0x9  }
0xb1: {  	_ =	task.clear_ibuf [dreg:s6], $0x5FFFF;
	_ =	strace $0x90000049  }
0xb2: {  	s29 =	simm.s32 $0x9;
	_ =	strace $0x8000004B  }
0xb3: {  	_ =	swait.ge [sflag:s29], $0x1  }
0xb4: {  	[sflag:s29] =	ssyncadd.s32 $0xFFFFFFFF  }
0xb5: {  	_ =	strace $0x9000004B  }
0xb6: {  	_ =	sfence  }
0xb7: {  	s30 =	sld [smem:$0x0];
	_ =	sdelay $0x2  }
0xb8: {  	s31 =	sshll.u32 s1, $0xD;
	s1 =	sshrl.u32 s1, $0x2  }
0xb9: {  	s3 =	sand.u32 $0x4000, s31;
	s1 =	sadd.s32 s1, s30  }
0xba: {  	s0 =	sor.u32 s3, s0;
	s1 =	sshll.u32 s1, $0x11  }
0xbb: {  	s0 =	sor.u32 s1, s0  }
0xbc: {  	s0 =	sadd.s32 $0x8F2B, s0  }
0xbd: {  	[sflag:s0] =	ssyncadd.remote.s32 $0x1  }
0xbe: {  	_ =	sfence.sel $0xFFFF  }
0xbf: {  	[dreg:$0x0] =	wrdreg $0xFFFFFFFF;
	(pc) =	sbr.abs _section_cstart, $3  }
0xc0: {  	[dreg:$0x1] =	wrdreg $0xFFFFFFFF  }
0xc1: {  	_ =	task.clear_ibuf [dreg:s6], $0x2FFFF;
	_ =	strace $0x9FFFFFFF  }
0xc2: {  	(tm) =	ssettm $0x7FFFFFFF  }
0xc3: {  	_ =	shalt  }
tec
execute0_lowered:
.L_overlay_start_1:
0x0: {  	(tag) =	ssettag $0x1  }
0x1: {  	s5 =	rddreg [dreg:$0x0];
	s0 =	srdreg.scid  }
0x2: {  	s2 =	rddreg [dreg:$0x1];
	s1 =	stileid.u32  }
0x3: {  	s3 =	simm.s32 $0x0;
	s13 =	simm.s32 $0x80;
	s8 =	smul.u32 $0x14000, s1  }
0x4: {  	s14 =	simm.s32 $0x100;
	s15 =	simm.s32 $0x1;
	s26 =	smul.u32 $0x50000, s1  }
0x5: {  	s6 =	sand.u32 $0x1, s0;
	s0 =	rddreg [dreg:$0x2];
	s30 =	smul.u32 $0x510, s1  }
0x6: {  	s16 =	simm.s32 $0x0;
	[smem:$0x7FF] =	sst s3;
	s7 =	smul.u32 $0x5100, s6  }
0x7: {  	s4 =	sadd.s32 $0x11000, s5;
	s31 =	sshll.u32 s1, $0x6;
	s9 =	smul.u32 $0x140000, s6  }
0x8: {  	_ =	strace $0x8000004A;
	s6 =	ssub.s32 $0x2, s6;
	s25 =	sshrl.u32 s8, $0x3  }
0x9: {  	s28 =	sshrl.u32 s6, $0x1;
	s29 =	sshrl.u32 s26, $0x2;
	s10 =	sadd.s32 s7, s5  }
0xa: {  	s8 =	sadd.s32 s8, s9;
	s7 =	sadd.s32 s25, s5;
	s11 =	ssub.s32 s6, s28  }
0xb: {  	s12 =	sadd.s32 s29, s2;
	s6 =	sor.u32 $0x1C02, s31;
	s8 =	sshrl.u32 s8, $0x3  }
0xc: {  	s10 =	sadd.s32 s30, s10;
	s8 =	sadd.s32 s8, s5;
	s5 =	sadd.s32 $0x43C00, s7  }
0xd: {  	s9 =	sadd.s32 $0x6E00, s10;
	s10 =	sadd.s32 $0x39A00, s10;
	s7 =	sadd.s32 $0x6BC00, s8  }
0xe: {  	s8 =	smax.u32 s11, $0x1;
	s11 =	sshrl.u32 s12, $0x3;
	s12 =	simm.s32 $0x2  }
.LBB2_1:
0xf: {  	[spmem:s11], [sflag:s6] =	dma.local [hbm:s5], $0x2800  }
0x10: {  	_ =	swait.ge [sflag:s12], $0x2800  }
0x11: {  	[sflag:s12] =	ssyncset.done $0x0  }
0x12: {  	[sflag:s12] =	ssyncadd.s32 $0xFFFFD800  }
0x13: {  	s17 =	sadd.s32 $0x0, s10;
	[bflag:$0x0] =	sbarrier.arrive $0xFFFF  }
0x14: {  	[tilespmem:s3], [sflag:$0x2] =	stream.linear.gather [hbm4b:s17+s3], $0x80, $0x38;
	[tilespmem:$0x18100] =	vst v63  }
0x15: {  	_ =	swait.ge [sflag:s12], $0x80  }
0x16: {  	[sflag:s12] =	ssyncset.done $0x0  }
0x17: {  	s31 =	sadd.s32 $0x0, s9;
	[sflag:s12] =	ssyncadd.s32 $0xFFFFFF80  }
0x18: {  	[tilespmem:s13], [sflag:$0x2] =	stream.linear.gather [hbm4b:s31+s3], $0x80, $0x38;
	[tilespmem:$0x18100] =	vst v63  }
0x19: {  	_ =	swait.ge [sflag:s12], $0x80  }
0x1a: {  	[sflag:s12] =	ssyncset.done $0x0  }
0x1b: {  	[sflag:s12] =	ssyncadd.s32 $0xFFFFFF80  }
0x1c: {  	[tilespmem:s14], [sflag:$0x1] =	stream.indirect.gather [hbm4b:s4+s13], $0x80, s3, s13, $0xb8;
	[tilespmem:$0x18100] =	vst v63  }
0x1d: {  	_ =	swait.ge [sflag:s15], $0x4000  }
0x1e: {  	[sflag:s15] =	ssyncset.done $0x0  }
0x1f: {  	[sflag:s15] =	ssyncadd.s32 $0xFFFFC000  }
0x20: {  	[spmem:s2] =	stream.indirect.scatter.add.f32 [tilespmem:s14], [sflag:$0x2], $0x80, s13, s13, $0xb8;
	[tilespmem:$0x18100] =	vst v63  }
0x21: {  	_ =	swait.ge [sflag:s12], $0x4000  }
0x22: {  	s18 =	simm.s32 $0x20;
	s17 =	simm.s32 $0x10;
	[sflag:s12] =	ssyncset.done $0x0  }
.LBB2_2:
0x23: {  	s19 =	sadd.s32 s17, s10  }
0x24: {  	[sflag:s12] =	ssyncadd.s32 $0xFFFFC000;
	s20 =	smov.u32 s18;
	s21 =	sadd.s32 $0x10, s18  }
0x25: {  	[tilespmem:s3], [sflag:$0x2] =	stream.linear.gather [hbm4b:s19+s3], $0x80, $0x38;
	[tilespmem:$0x18100] =	vst v63  }
0x26: {  	p0 =	sne.s32 s18, $0x500;
	_ =	swait.ge [sflag:s12], $0x80  }
0x27: {  	[sflag:s12] =	ssyncset.done $0x0  }
0x28: {  	s18 =	sadd.s32 s17, s9;
	s17 =	smov.u32 s20;
	[sflag:s12] =	ssyncadd.s32 $0xFFFFFF80  }
0x29: {  	[tilespmem:s13], [sflag:$0x2] =	stream.linear.gather [hbm4b:s18+s3], $0x80, $0x38;
	[tilespmem:$0x18100] =	vst v63  }
0x2a: {  	_ =	swait.ge [sflag:s12], $0x80  }
0x2b: {  	[sflag:s12] =	ssyncset.done $0x0  }
0x2c: {  	[sflag:s12] =	ssyncadd.s32 $0xFFFFFF80  }
0x2d: {  	[tilespmem:s14], [sflag:$0x1] =	stream.indirect.gather [hbm4b:s4+s13], $0x80, s3, s13, $0xb8;
	[tilespmem:$0x18100] =	vst v63  }
0x2e: {  	_ =	swait.ge [sflag:s15], $0x4000  }
.Ltmp0:
0x2f: {  	[sflag:s15] =	ssyncset.done $0x0;
	(pc) =	sbr.rel @p0 .LBB2_2-.Ltmp0, $4  }
0x30: {  	[sflag:s15] =	ssyncadd.s32 $0xFFFFC000  }
0x31: {  	[spmem:s2] =	stream.indirect.scatter.add.f32 [tilespmem:s14], [sflag:$0x2], $0x80, s13, s13, $0xb8;
	[tilespmem:$0x18100] =	vst v63  }
0x32: {  	_ =	swait.ge [sflag:s12], $0x4000  }
0x33: {  	s18 =	smov.u32 s21;
	[sflag:s12] =	ssyncset.done $0x0  }
0x34: {  	s18 =	sadd.s32 s17, s10;
	[sflag:s12] =	ssyncadd.s32 $0xFFFFC000  }
0x35: {  	[tilespmem:s3], [sflag:$0x2] =	stream.linear.gather [hbm4b:s18+s3], $0x80, $0x38;
	[tilespmem:$0x18100] =	vst v63  }
0x36: {  	_ =	swait.ge [sflag:s12], $0x80  }
0x37: {  	[sflag:s12] =	ssyncset.done $0x0  }
0x38: {  	s31 =	sadd.s32 s17, s9;
	[sflag:s12] =	ssyncadd.s32 $0xFFFFFF80  }
0x39: {  	[tilespmem:s13], [sflag:$0x2] =	stream.linear.gather [hbm4b:s31+s3], $0x80, $0x38;
	[tilespmem:$0x18100] =	vst v63  }
0x3a: {  	_ =	swait.ge [sflag:s12], $0x80  }
0x3b: {  	[sflag:s12] =	ssyncset.done $0x0  }
0x3c: {  	[sflag:s12] =	ssyncadd.s32 $0xFFFFFF80  }
0x3d: {  	[tilespmem:s14], [sflag:$0x1] =	stream.indirect.gather [hbm4b:s4+s13], $0x80, s3, s13, $0xb8;
	[tilespmem:$0x18100] =	vst v63  }
0x3e: {  	_ =	swait.ge [sflag:s15], $0x4000  }
0x3f: {  	[sflag:s15] =	ssyncset.done $0x0  }
0x40: {  	[sflag:s15] =	ssyncadd.s32 $0xFFFFC000  }
0x41: {  	[spmem:s2] =	stream.indirect.scatter.add.f32 [tilespmem:s14], [sflag:$0x2], $0x80, s13, s13, $0xb8;
	[tilespmem:$0x18100] =	vst v63  }
0x42: {  	_ =	swait.ge [sflag:s12], $0x4000  }
0x43: {  	s16 =	sadd.s32 $0x1, s16;
	[sflag:s12] =	ssyncset.done $0x0  }
0x44: {  	p0 =	sne.s32 s16, s8;
	[sflag:s12] =	ssyncadd.s32 $0xFFFFC000  }
.Ltmp1:
0x45: {  	[bflag:$0x0] =	sbarrier.arrive $0xFFFF;
	(pc) =	sbr.rel @p0 .LBB2_1-.Ltmp1, $4  }
0x46: {  	[hbm:s7], [sflag:s6] =	dma.local [spmem:s11], $0x2800  }
0x47: {  	_ =	swait.ge [sflag:s12], $0x2800  }
0x48: {  	[sflag:s12] =	ssyncset.done $0x0  }
0x49: {  	[sflag:s12] =	ssyncadd.s32 $0xFFFFD800  }
0x4a: {  	_ =	sfence.sel $0x180000  }
0x4b: {  	[bflag:$0x0] =	sbarrier.arrive $0xFFFF  }
0x4c: {  	p0 =	sne.s32 s1, $0x0;
	_ =	strace $0x9000004A  }
0x4d: {  	s0 =	sadd.s32 @!p0 $0x100000, s0;
	[bflag:$0x2] =	sbarrier.arrive $0xFFFF  }
0x4e: {  	[sflag:s0] =	ssyncadd.tile.s32 @!p0 $0x1;
	_ =	shalt  }
.Lfunc_end2:
_tile_overlayer_lowered:
.L_overlay_start_2:
0x4f: {  	(tag) =	ssettag $0x2  }
0x50: {  	s0 =	rddreg [dreg:$0x0];
	s2 =	stileid.u32  }
0x51: {  	s1 =	rddreg [dreg:$0x1];
	p0 =	sne.s32 s2, $0x0  }
0x52: {  	s3 =	rddreg [dreg:$0x2];
	[bflag:$0x3] =	sbarrier.arrive $0xFFFF;
	s2 =	simm.s32 @!p0 $0x1C02  }
0x53: {  	[timem:s3], [sflag:s2] =	dma.local @!p0 [hbm:s0], s1  }
0x54: {  	s0 =	simm.s32 @!p0 $0x2  }
0x55: {  	_ =	swait.ge @!p0 [sflag:s0], s1  }
0x56: {  	s1 =	ssub.s32 @!p0 $0x0, s1;
	[sflag:s0] =	ssyncset.done @!p0 $0x0  }
0x57: {  	[sflag:s0] =	ssyncadd.s32 @!p0 s1  }
0x58: {  	[bflag:$0x3] =	sbarrier.arrive $0xFFFF  }
0x59: {  	_ =	shalt  }

// kernel: kernel.18.cloned.1.call-start
scs
__scs_entry_jumppad:
0x0: {  	(pc) =	sbr.rel $0x88, $3  }
0x1: {  	(tag) =	ssettag $0x0;
	lr =	simm.s32 $0x1  }
0x2: {  	[smem:$0x3F93] =	sst lr;
	_ =	strace $0xD0000000  }
0x3: {  	_ = 	snop  }
0x4: {  	_ = 	snop  }
0x5: {  	_ = 	snop  }
0x6: {  	_ = 	snop  }
0x7: {  	_ = 	snop  }
__scs_overlays_trampoline_lowered:
0x8: {  	[smem:$0x3FA2] =	sst s0  }
0x9: {  	[smem:$0x3FA3] =	sst s1  }
0xa: {  	[smem:$0x3FA4] =	sst s2  }
0xb: {  	[smem:$0x3FA5] =	sst s3  }
0xc: {  	[smem:$0x3FA6] =	sst s4  }
0xd: {  	[smem:$0x3FA7] =	sst s5  }
0xe: {  	[smem:$0x3FA8] =	sst s6  }
0xf: {  	[smem:$0x3FA9] =	sst s7  }
0x10: {  	[smem:$0x3FAA] =	sst s8  }
0x11: {  	[smem:$0x3FAB] =	sst s9;
	s0 =	simm.s32 @!p0 $0x0  }
0x12: {  	s1 =	sld [smem:$0x3F91];
	s0 =	simm.s32 @p0 $0x1  }
0x13: {  	[smem:$0x3FAC] =	sst s0;
	s0 =	simm.s32 @!p1 $0x0  }
0x14: {  	s2 =	sld [smem:$0x3F90];
	s0 =	simm.s32 @p1 $0x1  }
0x15: {  	[smem:$0x3FAD] =	sst s0;
	s0 =	simm.s32 @!p2 $0x0  }
0x16: {  	s3 =	sld [smem:$0x3FDB];
	s0 =	simm.s32 @p2 $0x1  }
0x17: {  	s4 =	simm.s32 $0x1BF5;
	[smem:$0x3FAF] =	sst s0  }
0x18: {  	s0 =	sld [smem:$0x3F92];
	_ =	swait.ge [sflag:s4], $0x0  }
0x19: {  	s7 =	sld [smem:$0x3F93]  }
0x1a: {  	s8 =	sadd.s32 $0xFFFFE003, lr  }
0x1b: {  	s9 =	sadd.s32 $0xFFFFFEF7, lr;
	s5 =	simm.s32 $0xFFFFFFFF;
	p2 =	slt.u32 s8, $0xFFFFF086  }
0x1c: {  	p1 =	slt.u32 s9, $0xF7A;
	s5 =	simm.s32 @!p2 $0x0  }
0x1d: {  	s5 =	simm.s32 @p1 $0x1;
	p0 =	seq.s32 s7, s2  }
0x1e: {  	s7 =	smul.u32 @!p0 $0xF7A, s2;
	p2 =	seq.s32 @!p0 s5, $0x0  }
0x1f: {  	s9 =	smul.u32 $0xF7A, s1;
	s8 =	simm.s32 @!p0 $0x1BF5;
	p2 =	por !p2, p0  }
0x20: {  	[sflag:s8] =	ssyncset.s32 @!p0 $0xFFFFF086;
	s6 =	sadd.s32 @!p0 s3, s7;
	s7 =	simm.s32 @!p0 $0x108  }
0x21: {  	s3 =	sadd.s32 s3, s9;
	s6 =	sadd.s32 @!p0 $0x88, s6;
	s7 =	simm.s32 @p2 $0x1082  }
0x22: {  	[simem:s7], [sflag:s8] =	dma.local @!p0 [hbm:s6], $0xF7A  }
0x23: {  	s9 =	sor.u32 $0xD0000000, s2;
	s6 =	simm.s32 $0x108;
	_ =	swait.ge @!p0 [sflag:s8], $0x0  }
0x24: {  	s3 =	sadd.s32 $0x88, s3;
	s6 =	simm.s32 @!p1 $0x1082;
	[sflag:s4] =	ssyncset.s32 $0xFFFFF086  }
0x25: {  	[simem:s6], [sflag:s4] =	dma.local [hbm:s3], $0xF7A  }
0x26: {  	[smem:$0x3F93] =	sst s1;
	(tag) =	ssettag s2;
	_ =	strace s9  }
0x27: {  	s1 =	sld [smem:$0x3FA3]  }
0x28: {  	s2 =	sld [smem:$0x3FA4]  }
0x29: {  	s4 =	sld [smem:$0x3FA6]  }
0x2a: {  	p0 =	seq.s32 s5, $0x0;
	s5 =	sld [smem:$0x3FA7]  }
0x2b: {  	s6 =	sld [smem:$0x3FA8]  }
0x2c: {  	s7 =	sld [smem:$0x3FA9]  }
0x2d: {  	s3 =	simm.s32 $0x108;
	s8 =	sld [smem:$0x3FAA]  }
0x2e: {  	s3 =	simm.s32 @!p0 $0x1082;
	s9 =	sld [smem:$0x3FAB]  }
0x2f: {  	lr =	sadd.s32 s0, s3;
	s0 =	sld [smem:$0x3FA2]  }
0x30: {  	s3 =	sld [smem:$0x3FA5]  }
0x31: {  	[smem:$0x3FAE] =	sst s10  }
0x32: {  	s10 =	sld [smem:$0x3FAC];
	_ =	sdelay $0x3  }
0x33: {  	p0 =	seq.s32 s10, $0x1;
	s10 =	sld [smem:$0x3FAE];
	_ =	sdelay $0x3  }
0x34: {  	[smem:$0x3FAE] =	sst s10  }
0x35: {  	s10 =	sld [smem:$0x3FAD];
	_ =	sdelay $0x3  }
0x36: {  	p1 =	seq.s32 s10, $0x1;
	s10 =	sld [smem:$0x3FAE];
	_ =	sdelay $0x3  }
0x37: {  	[smem:$0x3FAE] =	sst s10  }
0x38: {  	s10 =	sld [smem:$0x3FAF]  }
0x39: {  	_ = 	snop;
	(pc) =	sbr.ind lr, $3  }
0x3a: {  	_ = 	snop  }
0x3b: {  	_ = 	snop  }
0x3c: {  	p2 =	seq.s32 s10, $0x1;
	s10 =	sld [smem:$0x3FAE]  }
0x3d: {  	_ =	shalt  }
0x3e: {  	_ =	shalt  }
0x3f: {  	_ =	shalt  }
0x40: {  	_ =	shalt  }
0x41: {  	_ =	shalt  }
0x42: {  	_ =	shalt  }
0x43: {  	_ =	shalt  }
0x44: {  	_ =	shalt  }
0x45: {  	_ =	shalt  }
0x46: {  	_ =	shalt  }
0x47: {  	_ =	shalt  }
0x48: {  	_ =	shalt  }
0x49: {  	_ =	shalt  }
0x4a: {  	_ =	shalt  }
0x4b: {  	_ =	shalt  }
0x4c: {  	_ =	shalt  }
0x4d: {  	_ =	shalt  }
0x4e: {  	_ =	shalt  }
0x4f: {  	_ =	shalt  }
0x50: {  	_ =	shalt  }
0x51: {  	_ =	shalt  }
0x52: {  	_ =	shalt  }
0x53: {  	_ =	shalt  }
0x54: {  	_ =	shalt  }
0x55: {  	_ =	shalt  }
0x56: {  	_ =	shalt  }
0x57: {  	_ =	shalt  }
0x58: {  	_ =	shalt  }
0x59: {  	_ =	shalt  }
0x5a: {  	_ =	shalt  }
0x5b: {  	_ =	shalt  }
0x5c: {  	_ =	shalt  }
0x5d: {  	_ =	shalt  }
0x5e: {  	_ =	shalt  }
0x5f: {  	_ =	shalt  }
0x60: {  	_ =	shalt  }
0x61: {  	_ =	shalt  }
0x62: {  	_ =	shalt  }
0x63: {  	_ =	shalt  }
0x64: {  	_ =	shalt  }
0x65: {  	_ =	shalt  }
0x66: {  	_ =	shalt  }
0x67: {  	_ =	shalt  }
0x68: {  	_ =	shalt  }
0x69: {  	_ =	shalt  }
0x6a: {  	_ =	shalt  }
0x6b: {  	_ =	shalt  }
0x6c: {  	_ =	shalt  }
0x6d: {  	_ =	shalt  }
0x6e: {  	_ =	shalt  }
0x6f: {  	_ =	shalt  }
0x70: {  	_ =	shalt  }
0x71: {  	_ =	shalt  }
0x72: {  	_ =	shalt  }
0x73: {  	_ =	shalt  }
0x74: {  	_ =	shalt  }
0x75: {  	_ =	shalt  }
0x76: {  	_ =	shalt  }
0x77: {  	_ =	shalt  }
0x78: {  	_ =	shalt  }
0x79: {  	_ =	shalt  }
0x7a: {  	_ =	shalt  }
0x7b: {  	_ =	shalt  }
0x7c: {  	_ =	shalt  }
0x7d: {  	_ =	shalt  }
0x7e: {  	_ =	shalt  }
0x7f: {  	_ =	shalt  }
0x80: {  	_ =	shalt  }
0x81: {  	_ =	shalt  }
0x82: {  	_ =	shalt  }
0x83: {  	_ =	shalt  }
0x84: {  	_ =	shalt  }
0x85: {  	_ =	shalt  }
0x86: {  	_ =	shalt  }
0x87: {  	_ =	shalt  }
.Lfunc_end0:
.L_simem_size_0:
called_computation.2_lowered:
.L_overlay_start_0:
0x88: {  	s2 =	sld [smem:$0x3FD9]  }
0x89: {  	s3 =	sld [smem:$0x3FFE];
	_ =	sdelay $0x1  }
0x8a: {  	s1 =	srdreg.scid  }
0x8b: {  	s0 =	sand.u32 $0x1, s1  }
0x8c: {  	s16 =	sshll.u32 s0, $0xA;
	s2 =	sadd.s32 s3, s2  }
0x8d: {  	s2 =	sadd.s32 s2, s16  }
0x8e: {  	[smem:$0x3FBA] =	sst s2  }
0x8f: {  	_ = 	snop  }
0x90: {  	(tm) =	ssettm $0x1  }
0x91: {  	s17 =	sld [smem:$0x3FFB];
	_ =	sdelay $0x3  }
0x92: {  	_ =	strace s17  }
0x93: {  	s2 =	sld [smem:$0x3FFC];
	_ =	sdelay $0x3  }
0x94: {  	_ =	strace s2  }
0x95: {  	s2 =	sld [smem:$0x3FFD];
	_ =	sdelay $0x3  }
0x96: {  	_ =	strace s2  }
0x97: {  	_ =	strace $0x8FFFFFFF  }
0x98: {  	s18 =	sld [smem:$0x3FDB];
	_ =	sdelay $0x1  }
0x99: {  	s19 =	simm.s32 $_scs_section_size  }
0x9a: {  	s4 =	simm.s32 $_size__tile_overlayer_lowered;
	s5 =	simm.s32 $_tile_overlayer_lowered  }
0x9b: {  	s22 =	simm.s32 $0x1BFF;
	s21 =	sshll.u32 s5, $0x1;
	s2 =	sadd.s32 s19, s18  }
0x9c: {  	s6 =	simm.s32 $0x0;
	s20 =	sshll.u32 s4, $0x1;
	s4 =	sadd.s32 s21, s2  }
0x9d: {  	[timem:s6], [sflag:s22] =	dma.local [hbm:s4], s20  }
0x9e: {  	_ =	swait.ge [sflag:s22], s20  }
0x9f: {  	s3 =	ssub.s32 $0x0, s20;
	[sflag:s22] =	ssyncset.done $0x0  }
0xa0: {  	[sflag:s22] =	ssyncadd.s32 s3;
	_ =	sdelay $0x1  }
0xa1: {  	s23 =	simm.s32 $0x1B8B  }
0xa2: {  	_ =	swait.ge [sflag:s23], $0x1  }
0xa3: {  	[sflag:s23] =	ssyncset.done $0x0  }
0xa4: {  	s25 =	simm.s32 $0x1B8E;
	s24 =	sld [smem:$0x3FFE];
	[sflag:s23] =	ssyncadd.s32 $0xFFFFFFFF  }
0xa5: {  	s26 =	simm.s32 $execute0_lowered;
	[smem:$0x3FD2] =	sst s25  }
0xa6: {  	s4 =	sshll.u32 s26, $0x1;
	_ =	strace $0x8000004C;
	[dreg:$0x1] =	wrdreg $0xFFFFFFFF  }
0xa7: {  	s28 =	simm.s32 $_size_execute0_lowered;
	s2 =	sadd.s32 s2, s4;
	[dreg:$0x0] =	wrdreg $0x0  }
0xa8: {  	s4 =	sshll.u32 s28, $0x1;
	[dreg:$0x2] =	wrdreg s2  }
0xa9: {  	[dreg:$0x3] =	wrdreg s4  }
0xaa: {  	[dreg:$0x4] =	wrdreg $0xC0  }
0xab: {  	_ =	task [dreg:s6], $0x5FFFF  }
0xac: {  	[dreg:$0x1] =	wrdreg $0xFFFFFFFF  }
0xad: {  	[dreg:$0x0] =	wrdreg $0x60  }
0xae: {  	[dreg:$0x2] =	wrdreg s24  }
0xaf: {  	[dreg:$0x3] =	wrdreg $0x41000  }
0xb0: {  	[dreg:$0x4] =	wrdreg $0x9  }
0xb1: {  	_ =	task.clear_ibuf [dreg:s6], $0x5FFFF;
	_ =	strace $0x9000004C  }
0xb2: {  	s29 =	simm.s32 $0x9;
	_ =	strace $0x8000004E  }
0xb3: {  	_ =	swait.ge [sflag:s29], $0x1  }
0xb4: {  	[sflag:s29] =	ssyncadd.s32 $0xFFFFFFFF  }
0xb5: {  	_ =	strace $0x9000004E  }
0xb6: {  	_ =	sfence  }
0xb7: {  	s30 =	sld [smem:$0x0];
	_ =	sdelay $0x2  }
0xb8: {  	s31 =	sshll.u32 s1, $0xD;
	s1 =	sshrl.u32 s1, $0x2  }
0xb9: {  	s3 =	sand.u32 $0x4000, s31;
	s1 =	sadd.s32 s1, s30  }
0xba: {  	s0 =	sor.u32 s3, s0;
	s1 =	sshll.u32 s1, $0x11  }
0xbb: {  	s0 =	sor.u32 s1, s0  }
0xbc: {  	s0 =	sadd.s32 $0x8F2B, s0  }
0xbd: {  	[sflag:s0] =	ssyncadd.remote.s32 $0x1  }
0xbe: {  	_ =	sfence.sel $0xFFFF  }
0xbf: {  	[dreg:$0x0] =	wrdreg $0xFFFFFFFF;
	(pc) =	sbr.abs _section_cstart, $3  }
0xc0: {  	[dreg:$0x1] =	wrdreg $0xFFFFFFFF  }
0xc1: {  	_ =	task.clear_ibuf [dreg:s6], $0x2FFFF;
	_ =	strace $0x9FFFFFFF  }
0xc2: {  	(tm) =	ssettm $0x7FFFFFFF  }
0xc3: {  	_ =	shalt  }
tec
execute0_lowered:
.L_overlay_start_1:
0x0: {  	(tag) =	ssettag $0x1  }
0x1: {  	s5 =	rddreg [dreg:$0x0];
	s0 =	srdreg.scid  }
0x2: {  	s2 =	rddreg [dreg:$0x1];
	s1 =	stileid.u32  }
0x3: {  	s3 =	simm.s32 $0x0;
	s13 =	simm.s32 $0x80;
	s8 =	smul.u32 $0x14000, s1  }
0x4: {  	s14 =	simm.s32 $0x100;
	s15 =	simm.s32 $0x1;
	s26 =	smul.u32 $0x50000, s1  }
0x5: {  	s6 =	sand.u32 $0x1, s0;
	s0 =	rddreg [dreg:$0x2];
	s30 =	smul.u32 $0x510, s1  }
0x6: {  	s16 =	simm.s32 $0x0;
	[smem:$0x7FF] =	sst s3;
	s7 =	smul.u32 $0x5100, s6  }
0x7: {  	s4 =	sadd.s32 $0x11000, s5;
	s31 =	sshll.u32 s1, $0x6;
	s9 =	smul.u32 $0x140000, s6  }
0x8: {  	_ =	strace $0x8000004D;
	s6 =	ssub.s32 $0x2, s6;
	s25 =	sshrl.u32 s8, $0x3  }
0x9: {  	s28 =	sshrl.u32 s6, $0x1;
	s29 =	sshrl.u32 s26, $0x2;
	s10 =	sadd.s32 s7, s5  }
0xa: {  	s8 =	sadd.s32 s8, s9;
	s7 =	sadd.s32 s25, s5;
	s11 =	ssub.s32 s6, s28  }
0xb: {  	s12 =	sadd.s32 s29, s2;
	s6 =	sor.u32 $0x1C02, s31;
	s8 =	sshrl.u32 s8, $0x3  }
0xc: {  	s10 =	sadd.s32 s30, s10;
	s8 =	sadd.s32 s8, s5;
	s5 =	sadd.s32 $0x43C00, s7  }
0xd: {  	s9 =	sadd.s32 $0x6E00, s10;
	s10 =	sadd.s32 $0x39A00, s10;
	s7 =	sadd.s32 $0x6BC00, s8  }
0xe: {  	s8 =	smax.u32 s11, $0x1;
	s11 =	sshrl.u32 s12, $0x3;
	s12 =	simm.s32 $0x2  }
.LBB2_1:
0xf: {  	[spmem:s11], [sflag:s6] =	dma.local [hbm:s5], $0x2800  }
0x10: {  	_ =	swait.ge [sflag:s12], $0x2800  }
0x11: {  	[sflag:s12] =	ssyncset.done $0x0  }
0x12: {  	[sflag:s12] =	ssyncadd.s32 $0xFFFFD800  }
0x13: {  	s17 =	sadd.s32 $0x0, s10;
	[bflag:$0x0] =	sbarrier.arrive $0xFFFF  }
0x14: {  	[tilespmem:s3], [sflag:$0x2] =	stream.linear.gather [hbm4b:s17+s3], $0x80, $0x38;
	[tilespmem:$0x18100] =	vst v63  }
0x15: {  	_ =	swait.ge [sflag:s12], $0x80  }
0x16: {  	[sflag:s12] =	ssyncset.done $0x0  }
0x17: {  	s31 =	sadd.s32 $0x0, s9;
	[sflag:s12] =	ssyncadd.s32 $0xFFFFFF80  }
0x18: {  	[tilespmem:s13], [sflag:$0x2] =	stream.linear.gather [hbm4b:s31+s3], $0x80, $0x38;
	[tilespmem:$0x18100] =	vst v63  }
0x19: {  	_ =	swait.ge [sflag:s12], $0x80  }
0x1a: {  	[sflag:s12] =	ssyncset.done $0x0  }
0x1b: {  	[sflag:s12] =	ssyncadd.s32 $0xFFFFFF80  }
0x1c: {  	[tilespmem:s14], [sflag:$0x1] =	stream.indirect.gather [hbm4b:s4+s13], $0x80, s3, s13, $0xb8;
	[tilespmem:$0x18100] =	vst v63  }
0x1d: {  	_ =	swait.ge [sflag:s15], $0x4000  }
0x1e: {  	[sflag:s15] =	ssyncset.done $0x0  }
0x1f: {  	[sflag:s15] =	ssyncadd.s32 $0xFFFFC000  }
0x20: {  	[spmem:s2] =	stream.indirect.scatter.add.f32 [tilespmem:s14], [sflag:$0x2], $0x80, s13, s13, $0xb8;
	[tilespmem:$0x18100] =	vst v63  }
0x21: {  	_ =	swait.ge [sflag:s12], $0x4000  }
0x22: {  	s18 =	simm.s32 $0x20;
	s17 =	simm.s32 $0x10;
	[sflag:s12] =	ssyncset.done $0x0  }
.LBB2_2:
0x23: {  	s19 =	sadd.s32 s17, s10  }
0x24: {  	[sflag:s12] =	ssyncadd.s32 $0xFFFFC000;
	s20 =	smov.u32 s18;
	s21 =	sadd.s32 $0x10, s18  }
0x25: {  	[tilespmem:s3], [sflag:$0x2] =	stream.linear.gather [hbm4b:s19+s3], $0x80, $0x38;
	[tilespmem:$0x18100] =	vst v63  }
0x26: {  	p0 =	sne.s32 s18, $0x500;
	_ =	swait.ge [sflag:s12], $0x80  }
0x27: {  	[sflag:s12] =	ssyncset.done $0x0  }
0x28: {  	s18 =	sadd.s32 s17, s9;
	s17 =	smov.u32 s20;
	[sflag:s12] =	ssyncadd.s32 $0xFFFFFF80  }
0x29: {  	[tilespmem:s13], [sflag:$0x2] =	stream.linear.gather [hbm4b:s18+s3], $0x80, $0x38;
	[tilespmem:$0x18100] =	vst v63  }
0x2a: {  	_ =	swait.ge [sflag:s12], $0x80  }
0x2b: {  	[sflag:s12] =	ssyncset.done $0x0  }
0x2c: {  	[sflag:s12] =	ssyncadd.s32 $0xFFFFFF80  }
0x2d: {  	[tilespmem:s14], [sflag:$0x1] =	stream.indirect.gather [hbm4b:s4+s13], $0x80, s3, s13, $0xb8;
	[tilespmem:$0x18100] =	vst v63  }
0x2e: {  	_ =	swait.ge [sflag:s15], $0x4000  }
.Ltmp0:
0x2f: {  	[sflag:s15] =	ssyncset.done $0x0;
	(pc) =	sbr.rel @p0 .LBB2_2-.Ltmp0, $4  }
0x30: {  	[sflag:s15] =	ssyncadd.s32 $0xFFFFC000  }
0x31: {  	[spmem:s2] =	stream.indirect.scatter.add.f32 [tilespmem:s14], [sflag:$0x2], $0x80, s13, s13, $0xb8;
	[tilespmem:$0x18100] =	vst v63  }
0x32: {  	_ =	swait.ge [sflag:s12], $0x4000  }
0x33: {  	s18 =	smov.u32 s21;
	[sflag:s12] =	ssyncset.done $0x0  }
0x34: {  	s18 =	sadd.s32 s17, s10;
	[sflag:s12] =	ssyncadd.s32 $0xFFFFC000  }
0x35: {  	[tilespmem:s3], [sflag:$0x2] =	stream.linear.gather [hbm4b:s18+s3], $0x80, $0x38;
	[tilespmem:$0x18100] =	vst v63  }
0x36: {  	_ =	swait.ge [sflag:s12], $0x80  }
0x37: {  	[sflag:s12] =	ssyncset.done $0x0  }
0x38: {  	s31 =	sadd.s32 s17, s9;
	[sflag:s12] =	ssyncadd.s32 $0xFFFFFF80  }
0x39: {  	[tilespmem:s13], [sflag:$0x2] =	stream.linear.gather [hbm4b:s31+s3], $0x80, $0x38;
	[tilespmem:$0x18100] =	vst v63  }
0x3a: {  	_ =	swait.ge [sflag:s12], $0x80  }
0x3b: {  	[sflag:s12] =	ssyncset.done $0x0  }
0x3c: {  	[sflag:s12] =	ssyncadd.s32 $0xFFFFFF80  }
0x3d: {  	[tilespmem:s14], [sflag:$0x1] =	stream.indirect.gather [hbm4b:s4+s13], $0x80, s3, s13, $0xb8;
	[tilespmem:$0x18100] =	vst v63  }
0x3e: {  	_ =	swait.ge [sflag:s15], $0x4000  }
0x3f: {  	[sflag:s15] =	ssyncset.done $0x0  }
0x40: {  	[sflag:s15] =	ssyncadd.s32 $0xFFFFC000  }
0x41: {  	[spmem:s2] =	stream.indirect.scatter.add.f32 [tilespmem:s14], [sflag:$0x2], $0x80, s13, s13, $0xb8;
	[tilespmem:$0x18100] =	vst v63  }
0x42: {  	_ =	swait.ge [sflag:s12], $0x4000  }
0x43: {  	s16 =	sadd.s32 $0x1, s16;
	[sflag:s12] =	ssyncset.done $0x0  }
0x44: {  	p0 =	sne.s32 s16, s8;
	[sflag:s12] =	ssyncadd.s32 $0xFFFFC000  }
.Ltmp1:
0x45: {  	[bflag:$0x0] =	sbarrier.arrive $0xFFFF;
	(pc) =	sbr.rel @p0 .LBB2_1-.Ltmp1, $4  }
0x46: {  	[hbm:s7], [sflag:s6] =	dma.local [spmem:s11], $0x2800  }
0x47: {  	_ =	swait.ge [sflag:s12], $0x2800  }
0x48: {  	[sflag:s12] =	ssyncset.done $0x0  }
0x49: {  	[sflag:s12] =	ssyncadd.s32 $0xFFFFD800  }
0x4a: {  	_ =	sfence.sel $0x180000  }
0x4b: {  	[bflag:$0x0] =	sbarrier.arrive $0xFFFF  }
0x4c: {  	p0 =	sne.s32 s1, $0x0;
	_ =	strace $0x9000004D  }
0x4d: {  	s0 =	sadd.s32 @!p0 $0x100000, s0;
	[bflag:$0x2] =	sbarrier.arrive $0xFFFF  }
0x4e: {  	[sflag:s0] =	ssyncadd.tile.s32 @!p0 $0x1;
	_ =	shalt  }
.Lfunc_end2:
_tile_overlayer_lowered:
.L_overlay_start_2:
0x4f: {  	(tag) =	ssettag $0x2  }
0x50: {  	s0 =	rddreg [dreg:$0x0];
	s2 =	stileid.u32  }
0x51: {  	s1 =	rddreg [dreg:$0x1];
	p0 =	sne.s32 s2, $0x0  }
0x52: {  	s3 =	rddreg [dreg:$0x2];
	[bflag:$0x3] =	sbarrier.arrive $0xFFFF;
	s2 =	simm.s32 @!p0 $0x1C02  }
0x53: {  	[timem:s3], [sflag:s2] =	dma.local @!p0 [hbm:s0], s1  }
0x54: {  	s0 =	simm.s32 @!p0 $0x2  }
0x55: {  	_ =	swait.ge @!p0 [sflag:s0], s1  }
0x56: {  	s1 =	ssub.s32 @!p0 $0x0, s1;
	[sflag:s0] =	ssyncset.done @!p0 $0x0  }
0x57: {  	[sflag:s0] =	ssyncadd.s32 @!p0 s1  }
0x58: {  	[bflag:$0x3] =	sbarrier.arrive $0xFFFF  }
0x59: {  	_ =	shalt  }

// kernel: kernel.21.cloned.1.call-start
scs
__scs_entry_jumppad:
0x0: {  	(pc) =	sbr.rel $0x88, $3  }
0x1: {  	(tag) =	ssettag $0x0;
	lr =	simm.s32 $0x1  }
0x2: {  	[smem:$0x3F93] =	sst lr;
	_ =	strace $0xD0000000  }
0x3: {  	_ = 	snop  }
0x4: {  	_ = 	snop  }
0x5: {  	_ = 	snop  }
0x6: {  	_ = 	snop  }
0x7: {  	_ = 	snop  }
__scs_overlays_trampoline_lowered:
0x8: {  	[smem:$0x3FA2] =	sst s0  }
0x9: {  	[smem:$0x3FA3] =	sst s1  }
0xa: {  	[smem:$0x3FA4] =	sst s2  }
0xb: {  	[smem:$0x3FA5] =	sst s3  }
0xc: {  	[smem:$0x3FA6] =	sst s4  }
0xd: {  	[smem:$0x3FA7] =	sst s5  }
0xe: {  	[smem:$0x3FA8] =	sst s6  }
0xf: {  	[smem:$0x3FA9] =	sst s7  }
0x10: {  	[smem:$0x3FAA] =	sst s8  }
0x11: {  	[smem:$0x3FAB] =	sst s9;
	s0 =	simm.s32 @!p0 $0x0  }
0x12: {  	s1 =	sld [smem:$0x3F91];
	s0 =	simm.s32 @p0 $0x1  }
0x13: {  	[smem:$0x3FAC] =	sst s0;
	s0 =	simm.s32 @!p1 $0x0  }
0x14: {  	s2 =	sld [smem:$0x3F90];
	s0 =	simm.s32 @p1 $0x1  }
0x15: {  	[smem:$0x3FAD] =	sst s0;
	s0 =	simm.s32 @!p2 $0x0  }
0x16: {  	s3 =	sld [smem:$0x3FDB];
	s0 =	simm.s32 @p2 $0x1  }
0x17: {  	s4 =	simm.s32 $0x1BF5;
	[smem:$0x3FAF] =	sst s0  }
0x18: {  	s0 =	sld [smem:$0x3F92];
	_ =	swait.ge [sflag:s4], $0x0  }
0x19: {  	s7 =	sld [smem:$0x3F93]  }
0x1a: {  	s8 =	sadd.s32 $0xFFFFE003, lr  }
0x1b: {  	s9 =	sadd.s32 $0xFFFFFEF7, lr;
	s5 =	simm.s32 $0xFFFFFFFF;
	p2 =	slt.u32 s8, $0xFFFFF086  }
0x1c: {  	p1 =	slt.u32 s9, $0xF7A;
	s5 =	simm.s32 @!p2 $0x0  }
0x1d: {  	s5 =	simm.s32 @p1 $0x1;
	p0 =	seq.s32 s7, s2  }
0x1e: {  	s7 =	smul.u32 @!p0 $0xF7A, s2;
	p2 =	seq.s32 @!p0 s5, $0x0  }
0x1f: {  	s9 =	smul.u32 $0xF7A, s1;
	s8 =	simm.s32 @!p0 $0x1BF5;
	p2 =	por !p2, p0  }
0x20: {  	[sflag:s8] =	ssyncset.s32 @!p0 $0xFFFFF086;
	s6 =	sadd.s32 @!p0 s3, s7;
	s7 =	simm.s32 @!p0 $0x108  }
0x21: {  	s3 =	sadd.s32 s3, s9;
	s6 =	sadd.s32 @!p0 $0x88, s6;
	s7 =	simm.s32 @p2 $0x1082  }
0x22: {  	[simem:s7], [sflag:s8] =	dma.local @!p0 [hbm:s6], $0xF7A  }
0x23: {  	s9 =	sor.u32 $0xD0000000, s2;
	s6 =	simm.s32 $0x108;
	_ =	swait.ge @!p0 [sflag:s8], $0x0  }
0x24: {  	s3 =	sadd.s32 $0x88, s3;
	s6 =	simm.s32 @!p1 $0x1082;
	[sflag:s4] =	ssyncset.s32 $0xFFFFF086  }
0x25: {  	[simem:s6], [sflag:s4] =	dma.local [hbm:s3], $0xF7A  }
0x26: {  	[smem:$0x3F93] =	sst s1;
	(tag) =	ssettag s2;
	_ =	strace s9  }
0x27: {  	s1 =	sld [smem:$0x3FA3]  }
0x28: {  	s2 =	sld [smem:$0x3FA4]  }
0x29: {  	s4 =	sld [smem:$0x3FA6]  }
0x2a: {  	p0 =	seq.s32 s5, $0x0;
	s5 =	sld [smem:$0x3FA7]  }
0x2b: {  	s6 =	sld [smem:$0x3FA8]  }
0x2c: {  	s7 =	sld [smem:$0x3FA9]  }
0x2d: {  	s3 =	simm.s32 $0x108;
	s8 =	sld [smem:$0x3FAA]  }
0x2e: {  	s3 =	simm.s32 @!p0 $0x1082;
	s9 =	sld [smem:$0x3FAB]  }
0x2f: {  	lr =	sadd.s32 s0, s3;
	s0 =	sld [smem:$0x3FA2]  }
0x30: {  	s3 =	sld [smem:$0x3FA5]  }
0x31: {  	[smem:$0x3FAE] =	sst s10  }
0x32: {  	s10 =	sld [smem:$0x3FAC];
	_ =	sdelay $0x3  }
0x33: {  	p0 =	seq.s32 s10, $0x1;
	s10 =	sld [smem:$0x3FAE];
	_ =	sdelay $0x3  }
0x34: {  	[smem:$0x3FAE] =	sst s10  }
0x35: {  	s10 =	sld [smem:$0x3FAD];
	_ =	sdelay $0x3  }
0x36: {  	p1 =	seq.s32 s10, $0x1;
	s10 =	sld [smem:$0x3FAE];
	_ =	sdelay $0x3  }
0x37: {  	[smem:$0x3FAE] =	sst s10  }
0x38: {  	s10 =	sld [smem:$0x3FAF]  }
0x39: {  	_ = 	snop;
	(pc) =	sbr.ind lr, $3  }
0x3a: {  	_ = 	snop  }
0x3b: {  	_ = 	snop  }
0x3c: {  	p2 =	seq.s32 s10, $0x1;
	s10 =	sld [smem:$0x3FAE]  }
0x3d: {  	_ =	shalt  }
0x3e: {  	_ =	shalt  }
0x3f: {  	_ =	shalt  }
0x40: {  	_ =	shalt  }
0x41: {  	_ =	shalt  }
0x42: {  	_ =	shalt  }
0x43: {  	_ =	shalt  }
0x44: {  	_ =	shalt  }
0x45: {  	_ =	shalt  }
0x46: {  	_ =	shalt  }
0x47: {  	_ =	shalt  }
0x48: {  	_ =	shalt  }
0x49: {  	_ =	shalt  }
0x4a: {  	_ =	shalt  }
0x4b: {  	_ =	shalt  }
0x4c: {  	_ =	shalt  }
0x4d: {  	_ =	shalt  }
0x4e: {  	_ =	shalt  }
0x4f: {  	_ =	shalt  }
0x50: {  	_ =	shalt  }
0x51: {  	_ =	shalt  }
0x52: {  	_ =	shalt  }
0x53: {  	_ =	shalt  }
0x54: {  	_ =	shalt  }
0x55: {  	_ =	shalt  }
0x56: {  	_ =	shalt  }
0x57: {  	_ =	shalt  }
0x58: {  	_ =	shalt  }
0x59: {  	_ =	shalt  }
0x5a: {  	_ =	shalt  }
0x5b: {  	_ =	shalt  }
0x5c: {  	_ =	shalt  }
0x5d: {  	_ =	shalt  }
0x5e: {  	_ =	shalt  }
0x5f: {  	_ =	shalt  }
0x60: {  	_ =	shalt  }
0x61: {  	_ =	shalt  }
0x62: {  	_ =	shalt  }
0x63: {  	_ =	shalt  }
0x64: {  	_ =	shalt  }
0x65: {  	_ =	shalt  }
0x66: {  	_ =	shalt  }
0x67: {  	_ =	shalt  }
0x68: {  	_ =	shalt  }
0x69: {  	_ =	shalt  }
0x6a: {  	_ =	shalt  }
0x6b: {  	_ =	shalt  }
0x6c: {  	_ =	shalt  }
0x6d: {  	_ =	shalt  }
0x6e: {  	_ =	shalt  }
0x6f: {  	_ =	shalt  }
0x70: {  	_ =	shalt  }
0x71: {  	_ =	shalt  }
0x72: {  	_ =	shalt  }
0x73: {  	_ =	shalt  }
0x74: {  	_ =	shalt  }
0x75: {  	_ =	shalt  }
0x76: {  	_ =	shalt  }
0x77: {  	_ =	shalt  }
0x78: {  	_ =	shalt  }
0x79: {  	_ =	shalt  }
0x7a: {  	_ =	shalt  }
0x7b: {  	_ =	shalt  }
0x7c: {  	_ =	shalt  }
0x7d: {  	_ =	shalt  }
0x7e: {  	_ =	shalt  }
0x7f: {  	_ =	shalt  }
0x80: {  	_ =	shalt  }
0x81: {  	_ =	shalt  }
0x82: {  	_ =	shalt  }
0x83: {  	_ =	shalt  }
0x84: {  	_ =	shalt  }
0x85: {  	_ =	shalt  }
0x86: {  	_ =	shalt  }
0x87: {  	_ =	shalt  }
.Lfunc_end0:
.L_simem_size_0:
called_computation.3_lowered:
.L_overlay_start_0:
0x88: {  	s2 =	sld [smem:$0x3FD9]  }
0x89: {  	s3 =	sld [smem:$0x3FFE];
	_ =	sdelay $0x1  }
0x8a: {  	s1 =	srdreg.scid  }
0x8b: {  	s0 =	sand.u32 $0x1, s1  }
0x8c: {  	s16 =	sshll.u32 s0, $0xA;
	s2 =	sadd.s32 s3, s2  }
0x8d: {  	s2 =	sadd.s32 s2, s16  }
0x8e: {  	[smem:$0x3FBA] =	sst s2  }
0x8f: {  	_ = 	snop  }
0x90: {  	(tm) =	ssettm $0x1  }
0x91: {  	s17 =	sld [smem:$0x3FFB];
	_ =	sdelay $0x3  }
0x92: {  	_ =	strace s17  }
0x93: {  	s2 =	sld [smem:$0x3FFC];
	_ =	sdelay $0x3  }
0x94: {  	_ =	strace s2  }
0x95: {  	s2 =	sld [smem:$0x3FFD];
	_ =	sdelay $0x3  }
0x96: {  	_ =	strace s2  }
0x97: {  	_ =	strace $0x8FFFFFFF  }
0x98: {  	s18 =	sld [smem:$0x3FDB];
	_ =	sdelay $0x1  }
0x99: {  	s19 =	simm.s32 $_scs_section_size  }
0x9a: {  	s4 =	simm.s32 $_size__tile_overlayer_lowered;
	s5 =	simm.s32 $_tile_overlayer_lowered  }
0x9b: {  	s22 =	simm.s32 $0x1BFF;
	s21 =	sshll.u32 s5, $0x1;
	s2 =	sadd.s32 s19, s18  }
0x9c: {  	s6 =	simm.s32 $0x0;
	s20 =	sshll.u32 s4, $0x1;
	s4 =	sadd.s32 s21, s2  }
0x9d: {  	[timem:s6], [sflag:s22] =	dma.local [hbm:s4], s20  }
0x9e: {  	_ =	swait.ge [sflag:s22], s20  }
0x9f: {  	s3 =	ssub.s32 $0x0, s20;
	[sflag:s22] =	ssyncset.done $0x0  }
0xa0: {  	[sflag:s22] =	ssyncadd.s32 s3;
	_ =	sdelay $0x1  }
0xa1: {  	s23 =	simm.s32 $0x1B8B  }
0xa2: {  	_ =	swait.ge [sflag:s23], $0x1  }
0xa3: {  	[sflag:s23] =	ssyncset.done $0x0  }
0xa4: {  	s25 =	simm.s32 $0x1B8E;
	s24 =	sld [smem:$0x3FFE];
	[sflag:s23] =	ssyncadd.s32 $0xFFFFFFFF  }
0xa5: {  	s26 =	simm.s32 $execute0_lowered;
	[smem:$0x3FD2] =	sst s25  }
0xa6: {  	s4 =	sshll.u32 s26, $0x1;
	_ =	strace $0x8000004F;
	[dreg:$0x1] =	wrdreg $0xFFFFFFFF  }
0xa7: {  	s28 =	simm.s32 $_size_execute0_lowered;
	s2 =	sadd.s32 s2, s4;
	[dreg:$0x0] =	wrdreg $0x0  }
0xa8: {  	s4 =	sshll.u32 s28, $0x1;
	[dreg:$0x2] =	wrdreg s2  }
0xa9: {  	[dreg:$0x3] =	wrdreg s4  }
0xaa: {  	[dreg:$0x4] =	wrdreg $0xC0  }
0xab: {  	_ =	task [dreg:s6], $0x5FFFF  }
0xac: {  	[dreg:$0x1] =	wrdreg $0xFFFFFFFF  }
0xad: {  	[dreg:$0x0] =	wrdreg $0x60  }
0xae: {  	[dreg:$0x2] =	wrdreg s24  }
0xaf: {  	[dreg:$0x3] =	wrdreg $0x41000  }
0xb0: {  	[dreg:$0x4] =	wrdreg $0x9  }
0xb1: {  	_ =	task.clear_ibuf [dreg:s6], $0x5FFFF;
	_ =	strace $0x9000004F  }
0xb2: {  	s29 =	simm.s32 $0x9;
	_ =	strace $0x80000051  }
0xb3: {  	_ =	swait.ge [sflag:s29], $0x1  }
0xb4: {  	[sflag:s29] =	ssyncadd.s32 $0xFFFFFFFF  }
0xb5: {  	_ =	strace $0x90000051  }
0xb6: {  	_ =	sfence  }
0xb7: {  	s30 =	sld [smem:$0x0];
	_ =	sdelay $0x2  }
0xb8: {  	s31 =	sshll.u32 s1, $0xD;
	s1 =	sshrl.u32 s1, $0x2  }
0xb9: {  	s3 =	sand.u32 $0x4000, s31;
	s1 =	sadd.s32 s1, s30  }
0xba: {  	s0 =	sor.u32 s3, s0;
	s1 =	sshll.u32 s1, $0x11  }
0xbb: {  	s0 =	sor.u32 s1, s0  }
0xbc: {  	s0 =	sadd.s32 $0x8F2B, s0  }
0xbd: {  	[sflag:s0] =	ssyncadd.remote.s32 $0x1  }
0xbe: {  	_ =	sfence.sel $0xFFFF  }
0xbf: {  	[dreg:$0x0] =	wrdreg $0xFFFFFFFF;
	(pc) =	sbr.abs _section_cstart, $3  }
0xc0: {  	[dreg:$0x1] =	wrdreg $0xFFFFFFFF  }
0xc1: {  	_ =	task.clear_ibuf [dreg:s6], $0x2FFFF;
	_ =	strace $0x9FFFFFFF  }
0xc2: {  	(tm) =	ssettm $0x7FFFFFFF  }
0xc3: {  	_ =	shalt  }
tec
execute0_lowered:
.L_overlay_start_1:
0x0: {  	(tag) =	ssettag $0x1  }
0x1: {  	s5 =	rddreg [dreg:$0x0];
	s0 =	srdreg.scid  }
0x2: {  	s2 =	rddreg [dreg:$0x1];
	s1 =	stileid.u32  }
0x3: {  	s3 =	simm.s32 $0x0;
	s13 =	simm.s32 $0x80;
	s8 =	smul.u32 $0x14000, s1  }
0x4: {  	s14 =	simm.s32 $0x100;
	s15 =	simm.s32 $0x1;
	s26 =	smul.u32 $0x50000, s1  }
0x5: {  	s6 =	sand.u32 $0x1, s0;
	s0 =	rddreg [dreg:$0x2];
	s30 =	smul.u32 $0x510, s1  }
0x6: {  	s16 =	simm.s32 $0x0;
	[smem:$0x7FF] =	sst s3;
	s7 =	smul.u32 $0x5100, s6  }
0x7: {  	s4 =	sadd.s32 $0x11000, s5;
	s31 =	sshll.u32 s1, $0x6;
	s9 =	smul.u32 $0x140000, s6  }
0x8: {  	_ =	strace $0x80000050;
	s6 =	ssub.s32 $0x2, s6;
	s25 =	sshrl.u32 s8, $0x3  }
0x9: {  	s28 =	sshrl.u32 s6, $0x1;
	s29 =	sshrl.u32 s26, $0x2;
	s10 =	sadd.s32 s7, s5  }
0xa: {  	s8 =	sadd.s32 s8, s9;
	s7 =	sadd.s32 s25, s5;
	s11 =	ssub.s32 s6, s28  }
0xb: {  	s12 =	sadd.s32 s29, s2;
	s6 =	sor.u32 $0x1C02, s31;
	s8 =	sshrl.u32 s8, $0x3  }
0xc: {  	s10 =	sadd.s32 s30, s10;
	s8 =	sadd.s32 s8, s5;
	s5 =	sadd.s32 $0x43C00, s7  }
0xd: {  	s9 =	sadd.s32 $0x6E00, s10;
	s10 =	sadd.s32 $0x39A00, s10;
	s7 =	sadd.s32 $0x6BC00, s8  }
0xe: {  	s8 =	smax.u32 s11, $0x1;
	s11 =	sshrl.u32 s12, $0x3;
	s12 =	simm.s32 $0x2  }
.LBB2_1:
0xf: {  	[spmem:s11], [sflag:s6] =	dma.local [hbm:s5], $0x2800  }
0x10: {  	_ =	swait.ge [sflag:s12], $0x2800  }
0x11: {  	[sflag:s12] =	ssyncset.done $0x0  }
0x12: {  	[sflag:s12] =	ssyncadd.s32 $0xFFFFD800  }
0x13: {  	s17 =	sadd.s32 $0x0, s10;
	[bflag:$0x0] =	sbarrier.arrive $0xFFFF  }
0x14: {  	[tilespmem:s3], [sflag:$0x2] =	stream.linear.gather [hbm4b:s17+s3], $0x80, $0x38;
	[tilespmem:$0x18100] =	vst v63  }
0x15: {  	_ =	swait.ge [sflag:s12], $0x80  }
0x16: {  	[sflag:s12] =	ssyncset.done $0x0  }
0x17: {  	s31 =	sadd.s32 $0x0, s9;
	[sflag:s12] =	ssyncadd.s32 $0xFFFFFF80  }
0x18: {  	[tilespmem:s13], [sflag:$0x2] =	stream.linear.gather [hbm4b:s31+s3], $0x80, $0x38;
	[tilespmem:$0x18100] =	vst v63  }
0x19: {  	_ =	swait.ge [sflag:s12], $0x80  }
0x1a: {  	[sflag:s12] =	ssyncset.done $0x0  }
0x1b: {  	[sflag:s12] =	ssyncadd.s32 $0xFFFFFF80  }
0x1c: {  	[tilespmem:s14], [sflag:$0x1] =	stream.indirect.gather [hbm4b:s4+s13], $0x80, s3, s13, $0xb8;
	[tilespmem:$0x18100] =	vst v63  }
0x1d: {  	_ =	swait.ge [sflag:s15], $0x4000  }
0x1e: {  	[sflag:s15] =	ssyncset.done $0x0  }
0x1f: {  	[sflag:s15] =	ssyncadd.s32 $0xFFFFC000  }
0x20: {  	[spmem:s2] =	stream.indirect.scatter.add.f32 [tilespmem:s14], [sflag:$0x2], $0x80, s13, s13, $0xb8;
	[tilespmem:$0x18100] =	vst v63  }
0x21: {  	_ =	swait.ge [sflag:s12], $0x4000  }
0x22: {  	s18 =	simm.s32 $0x20;
	s17 =	simm.s32 $0x10;
	[sflag:s12] =	ssyncset.done $0x0  }
.LBB2_2:
0x23: {  	s19 =	sadd.s32 s17, s10  }
0x24: {  	[sflag:s12] =	ssyncadd.s32 $0xFFFFC000;
	s20 =	smov.u32 s18;
	s21 =	sadd.s32 $0x10, s18  }
0x25: {  	[tilespmem:s3], [sflag:$0x2] =	stream.linear.gather [hbm4b:s19+s3], $0x80, $0x38;
	[tilespmem:$0x18100] =	vst v63  }
0x26: {  	p0 =	sne.s32 s18, $0x500;
	_ =	swait.ge [sflag:s12], $0x80  }
0x27: {  	[sflag:s12] =	ssyncset.done $0x0  }
0x28: {  	s18 =	sadd.s32 s17, s9;
	s17 =	smov.u32 s20;
	[sflag:s12] =	ssyncadd.s32 $0xFFFFFF80  }
0x29: {  	[tilespmem:s13], [sflag:$0x2] =	stream.linear.gather [hbm4b:s18+s3], $0x80, $0x38;
	[tilespmem:$0x18100] =	vst v63  }
0x2a: {  	_ =	swait.ge [sflag:s12], $0x80  }
0x2b: {  	[sflag:s12] =	ssyncset.done $0x0  }
0x2c: {  	[sflag:s12] =	ssyncadd.s32 $0xFFFFFF80  }
0x2d: {  	[tilespmem:s14], [sflag:$0x1] =	stream.indirect.gather [hbm4b:s4+s13], $0x80, s3, s13, $0xb8;
	[tilespmem:$0x18100] =	vst v63  }
0x2e: {  	_ =	swait.ge [sflag:s15], $0x4000  }
.Ltmp0:
0x2f: {  	[sflag:s15] =	ssyncset.done $0x0;
	(pc) =	sbr.rel @p0 .LBB2_2-.Ltmp0, $4  }
0x30: {  	[sflag:s15] =	ssyncadd.s32 $0xFFFFC000  }
0x31: {  	[spmem:s2] =	stream.indirect.scatter.add.f32 [tilespmem:s14], [sflag:$0x2], $0x80, s13, s13, $0xb8;
	[tilespmem:$0x18100] =	vst v63  }
0x32: {  	_ =	swait.ge [sflag:s12], $0x4000  }
0x33: {  	s18 =	smov.u32 s21;
	[sflag:s12] =	ssyncset.done $0x0  }
0x34: {  	s18 =	sadd.s32 s17, s10;
	[sflag:s12] =	ssyncadd.s32 $0xFFFFC000  }
0x35: {  	[tilespmem:s3], [sflag:$0x2] =	stream.linear.gather [hbm4b:s18+s3], $0x80, $0x38;
	[tilespmem:$0x18100] =	vst v63  }
0x36: {  	_ =	swait.ge [sflag:s12], $0x80  }
0x37: {  	[sflag:s12] =	ssyncset.done $0x0  }
0x38: {  	s31 =	sadd.s32 s17, s9;
	[sflag:s12] =	ssyncadd.s32 $0xFFFFFF80  }
0x39: {  	[tilespmem:s13], [sflag:$0x2] =	stream.linear.gather [hbm4b:s31+s3], $0x80, $0x38;
	[tilespmem:$0x18100] =	vst v63  }
0x3a: {  	_ =	swait.ge [sflag:s12], $0x80  }
0x3b: {  	[sflag:s12] =	ssyncset.done $0x0  }
0x3c: {  	[sflag:s12] =	ssyncadd.s32 $0xFFFFFF80  }
0x3d: {  	[tilespmem:s14], [sflag:$0x1] =	stream.indirect.gather [hbm4b:s4+s13], $0x80, s3, s13, $0xb8;
	[tilespmem:$0x18100] =	vst v63  }
0x3e: {  	_ =	swait.ge [sflag:s15], $0x4000  }
0x3f: {  	[sflag:s15] =	ssyncset.done $0x0  }
0x40: {  	[sflag:s15] =	ssyncadd.s32 $0xFFFFC000  }
0x41: {  	[spmem:s2] =	stream.indirect.scatter.add.f32 [tilespmem:s14], [sflag:$0x2], $0x80, s13, s13, $0xb8;
	[tilespmem:$0x18100] =	vst v63  }
0x42: {  	_ =	swait.ge [sflag:s12], $0x4000  }
0x43: {  	s16 =	sadd.s32 $0x1, s16;
	[sflag:s12] =	ssyncset.done $0x0  }
0x44: {  	p0 =	sne.s32 s16, s8;
	[sflag:s12] =	ssyncadd.s32 $0xFFFFC000  }
.Ltmp1:
0x45: {  	[bflag:$0x0] =	sbarrier.arrive $0xFFFF;
	(pc) =	sbr.rel @p0 .LBB2_1-.Ltmp1, $4  }
0x46: {  	[hbm:s7], [sflag:s6] =	dma.local [spmem:s11], $0x2800  }
0x47: {  	_ =	swait.ge [sflag:s12], $0x2800  }
0x48: {  	[sflag:s12] =	ssyncset.done $0x0  }
0x49: {  	[sflag:s12] =	ssyncadd.s32 $0xFFFFD800  }
0x4a: {  	_ =	sfence.sel $0x180000  }
0x4b: {  	[bflag:$0x0] =	sbarrier.arrive $0xFFFF  }
0x4c: {  	p0 =	sne.s32 s1, $0x0;
	_ =	strace $0x90000050  }
0x4d: {  	s0 =	sadd.s32 @!p0 $0x100000, s0;
	[bflag:$0x2] =	sbarrier.arrive $0xFFFF  }
0x4e: {  	[sflag:s0] =	ssyncadd.tile.s32 @!p0 $0x1;
	_ =	shalt  }
.Lfunc_end2:
_tile_overlayer_lowered:
.L_overlay_start_2:
0x4f: {  	(tag) =	ssettag $0x2  }
0x50: {  	s0 =	rddreg [dreg:$0x0];
	s2 =	stileid.u32  }
0x51: {  	s1 =	rddreg [dreg:$0x1];
	p0 =	sne.s32 s2, $0x0  }
0x52: {  	s3 =	rddreg [dreg:$0x2];
	[bflag:$0x3] =	sbarrier.arrive $0xFFFF;
	s2 =	simm.s32 @!p0 $0x1C02  }
0x53: {  	[timem:s3], [sflag:s2] =	dma.local @!p0 [hbm:s0], s1  }
0x54: {  	s0 =	simm.s32 @!p0 $0x2  }
0x55: {  	_ =	swait.ge @!p0 [sflag:s0], s1  }
0x56: {  	s1 =	ssub.s32 @!p0 $0x0, s1;
	[sflag:s0] =	ssyncset.done @!p0 $0x0  }
0x57: {  	[sflag:s0] =	ssyncadd.s32 @!p0 s1  }
0x58: {  	[bflag:$0x3] =	sbarrier.arrive $0xFFFF  }
0x59: {  	_ =	shalt  }

// kernel: kernel.24.cloned.1.call-start
scs
__scs_entry_jumppad:
0x0: {  	(pc) =	sbr.rel $0x88, $3  }
0x1: {  	(tag) =	ssettag $0x0;
	lr =	simm.s32 $0x1  }
0x2: {  	[smem:$0x3F93] =	sst lr;
	_ =	strace $0xD0000000  }
0x3: {  	_ = 	snop  }
0x4: {  	_ = 	snop  }
0x5: {  	_ = 	snop  }
0x6: {  	_ = 	snop  }
0x7: {  	_ = 	snop  }
__scs_overlays_trampoline_lowered:
0x8: {  	[smem:$0x3FA2] =	sst s0  }
0x9: {  	[smem:$0x3FA3] =	sst s1  }
0xa: {  	[smem:$0x3FA4] =	sst s2  }
0xb: {  	[smem:$0x3FA5] =	sst s3  }
0xc: {  	[smem:$0x3FA6] =	sst s4  }
0xd: {  	[smem:$0x3FA7] =	sst s5  }
0xe: {  	[smem:$0x3FA8] =	sst s6  }
0xf: {  	[smem:$0x3FA9] =	sst s7  }
0x10: {  	[smem:$0x3FAA] =	sst s8  }
0x11: {  	[smem:$0x3FAB] =	sst s9;
	s0 =	simm.s32 @!p0 $0x0  }
0x12: {  	s1 =	sld [smem:$0x3F91];
	s0 =	simm.s32 @p0 $0x1  }
0x13: {  	[smem:$0x3FAC] =	sst s0;
	s0 =	simm.s32 @!p1 $0x0  }
0x14: {  	s2 =	sld [smem:$0x3F90];
	s0 =	simm.s32 @p1 $0x1  }
0x15: {  	[smem:$0x3FAD] =	sst s0;
	s0 =	simm.s32 @!p2 $0x0  }
0x16: {  	s3 =	sld [smem:$0x3FDB];
	s0 =	simm.s32 @p2 $0x1  }
0x17: {  	s4 =	simm.s32 $0x1BF5;
	[smem:$0x3FAF] =	sst s0  }
0x18: {  	s0 =	sld [smem:$0x3F92];
	_ =	swait.ge [sflag:s4], $0x0  }
0x19: {  	s7 =	sld [smem:$0x3F93]  }
0x1a: {  	s8 =	sadd.s32 $0xFFFFE003, lr  }
0x1b: {  	s9 =	sadd.s32 $0xFFFFFEF7, lr;
	s5 =	simm.s32 $0xFFFFFFFF;
	p2 =	slt.u32 s8, $0xFFFFF086  }
0x1c: {  	p1 =	slt.u32 s9, $0xF7A;
	s5 =	simm.s32 @!p2 $0x0  }
0x1d: {  	s5 =	simm.s32 @p1 $0x1;
	p0 =	seq.s32 s7, s2  }
0x1e: {  	s7 =	smul.u32 @!p0 $0xF7A, s2;
	p2 =	seq.s32 @!p0 s5, $0x0  }
0x1f: {  	s9 =	smul.u32 $0xF7A, s1;
	s8 =	simm.s32 @!p0 $0x1BF5;
	p2 =	por !p2, p0  }
0x20: {  	[sflag:s8] =	ssyncset.s32 @!p0 $0xFFFFF086;
	s6 =	sadd.s32 @!p0 s3, s7;
	s7 =	simm.s32 @!p0 $0x108  }
0x21: {  	s3 =	sadd.s32 s3, s9;
	s6 =	sadd.s32 @!p0 $0x88, s6;
	s7 =	simm.s32 @p2 $0x1082  }
0x22: {  	[simem:s7], [sflag:s8] =	dma.local @!p0 [hbm:s6], $0xF7A  }
0x23: {  	s9 =	sor.u32 $0xD0000000, s2;
	s6 =	simm.s32 $0x108;
	_ =	swait.ge @!p0 [sflag:s8], $0x0  }
0x24: {  	s3 =	sadd.s32 $0x88, s3;
	s6 =	simm.s32 @!p1 $0x1082;
	[sflag:s4] =	ssyncset.s32 $0xFFFFF086  }
0x25: {  	[simem:s6], [sflag:s4] =	dma.local [hbm:s3], $0xF7A  }
0x26: {  	[smem:$0x3F93] =	sst s1;
	(tag) =	ssettag s2;
	_ =	strace s9  }
0x27: {  	s1 =	sld [smem:$0x3FA3]  }
0x28: {  	s2 =	sld [smem:$0x3FA4]  }
0x29: {  	s4 =	sld [smem:$0x3FA6]  }
0x2a: {  	p0 =	seq.s32 s5, $0x0;
	s5 =	sld [smem:$0x3FA7]  }
0x2b: {  	s6 =	sld [smem:$0x3FA8]  }
0x2c: {  	s7 =	sld [smem:$0x3FA9]  }
0x2d: {  	s3 =	simm.s32 $0x108;
	s8 =	sld [smem:$0x3FAA]  }
0x2e: {  	s3 =	simm.s32 @!p0 $0x1082;
	s9 =	sld [smem:$0x3FAB]  }
0x2f: {  	lr =	sadd.s32 s0, s3;
	s0 =	sld [smem:$0x3FA2]  }
0x30: {  	s3 =	sld [smem:$0x3FA5]  }
0x31: {  	[smem:$0x3FAE] =	sst s10  }
0x32: {  	s10 =	sld [smem:$0x3FAC];
	_ =	sdelay $0x3  }
0x33: {  	p0 =	seq.s32 s10, $0x1;
	s10 =	sld [smem:$0x3FAE];
	_ =	sdelay $0x3  }
0x34: {  	[smem:$0x3FAE] =	sst s10  }
0x35: {  	s10 =	sld [smem:$0x3FAD];
	_ =	sdelay $0x3  }
0x36: {  	p1 =	seq.s32 s10, $0x1;
	s10 =	sld [smem:$0x3FAE];
	_ =	sdelay $0x3  }
0x37: {  	[smem:$0x3FAE] =	sst s10  }
0x38: {  	s10 =	sld [smem:$0x3FAF]  }
0x39: {  	_ = 	snop;
	(pc) =	sbr.ind lr, $3  }
0x3a: {  	_ = 	snop  }
0x3b: {  	_ = 	snop  }
0x3c: {  	p2 =	seq.s32 s10, $0x1;
	s10 =	sld [smem:$0x3FAE]  }
0x3d: {  	_ =	shalt  }
0x3e: {  	_ =	shalt  }
0x3f: {  	_ =	shalt  }
0x40: {  	_ =	shalt  }
0x41: {  	_ =	shalt  }
0x42: {  	_ =	shalt  }
0x43: {  	_ =	shalt  }
0x44: {  	_ =	shalt  }
0x45: {  	_ =	shalt  }
0x46: {  	_ =	shalt  }
0x47: {  	_ =	shalt  }
0x48: {  	_ =	shalt  }
0x49: {  	_ =	shalt  }
0x4a: {  	_ =	shalt  }
0x4b: {  	_ =	shalt  }
0x4c: {  	_ =	shalt  }
0x4d: {  	_ =	shalt  }
0x4e: {  	_ =	shalt  }
0x4f: {  	_ =	shalt  }
0x50: {  	_ =	shalt  }
0x51: {  	_ =	shalt  }
0x52: {  	_ =	shalt  }
0x53: {  	_ =	shalt  }
0x54: {  	_ =	shalt  }
0x55: {  	_ =	shalt  }
0x56: {  	_ =	shalt  }
0x57: {  	_ =	shalt  }
0x58: {  	_ =	shalt  }
0x59: {  	_ =	shalt  }
0x5a: {  	_ =	shalt  }
0x5b: {  	_ =	shalt  }
0x5c: {  	_ =	shalt  }
0x5d: {  	_ =	shalt  }
0x5e: {  	_ =	shalt  }
0x5f: {  	_ =	shalt  }
0x60: {  	_ =	shalt  }
0x61: {  	_ =	shalt  }
0x62: {  	_ =	shalt  }
0x63: {  	_ =	shalt  }
0x64: {  	_ =	shalt  }
0x65: {  	_ =	shalt  }
0x66: {  	_ =	shalt  }
0x67: {  	_ =	shalt  }
0x68: {  	_ =	shalt  }
0x69: {  	_ =	shalt  }
0x6a: {  	_ =	shalt  }
0x6b: {  	_ =	shalt  }
0x6c: {  	_ =	shalt  }
0x6d: {  	_ =	shalt  }
0x6e: {  	_ =	shalt  }
0x6f: {  	_ =	shalt  }
0x70: {  	_ =	shalt  }
0x71: {  	_ =	shalt  }
0x72: {  	_ =	shalt  }
0x73: {  	_ =	shalt  }
0x74: {  	_ =	shalt  }
0x75: {  	_ =	shalt  }
0x76: {  	_ =	shalt  }
0x77: {  	_ =	shalt  }
0x78: {  	_ =	shalt  }
0x79: {  	_ =	shalt  }
0x7a: {  	_ =	shalt  }
0x7b: {  	_ =	shalt  }
0x7c: {  	_ =	shalt  }
0x7d: {  	_ =	shalt  }
0x7e: {  	_ =	shalt  }
0x7f: {  	_ =	shalt  }
0x80: {  	_ =	shalt  }
0x81: {  	_ =	shalt  }
0x82: {  	_ =	shalt  }
0x83: {  	_ =	shalt  }
0x84: {  	_ =	shalt  }
0x85: {  	_ =	shalt  }
0x86: {  	_ =	shalt  }
0x87: {  	_ =	shalt  }
.Lfunc_end0:
.L_simem_size_0:
called_computation.4_lowered:
.L_overlay_start_0:
0x88: {  	s2 =	sld [smem:$0x3FD9]  }
0x89: {  	s3 =	sld [smem:$0x3FFE];
	_ =	sdelay $0x1  }
0x8a: {  	s1 =	srdreg.scid  }
0x8b: {  	s0 =	sand.u32 $0x1, s1  }
0x8c: {  	s16 =	sshll.u32 s0, $0xA;
	s2 =	sadd.s32 s3, s2  }
0x8d: {  	s2 =	sadd.s32 s2, s16  }
0x8e: {  	[smem:$0x3FBA] =	sst s2  }
0x8f: {  	_ = 	snop  }
0x90: {  	(tm) =	ssettm $0x1  }
0x91: {  	s17 =	sld [smem:$0x3FFB];
	_ =	sdelay $0x3  }
0x92: {  	_ =	strace s17  }
0x93: {  	s2 =	sld [smem:$0x3FFC];
	_ =	sdelay $0x3  }
0x94: {  	_ =	strace s2  }
0x95: {  	s2 =	sld [smem:$0x3FFD];
	_ =	sdelay $0x3  }
0x96: {  	_ =	strace s2  }
0x97: {  	_ =	strace $0x8FFFFFFF  }
0x98: {  	s18 =	sld [smem:$0x3FDB];
	_ =	sdelay $0x1  }
0x99: {  	s19 =	simm.s32 $_scs_section_size  }
0x9a: {  	s4 =	simm.s32 $_size__tile_overlayer_lowered;
	s5 =	simm.s32 $_tile_overlayer_lowered  }
0x9b: {  	s22 =	simm.s32 $0x1BFF;
	s21 =	sshll.u32 s5, $0x1;
	s2 =	sadd.s32 s19, s18  }
0x9c: {  	s6 =	simm.s32 $0x0;
	s20 =	sshll.u32 s4, $0x1;
	s4 =	sadd.s32 s21, s2  }
0x9d: {  	[timem:s6], [sflag:s22] =	dma.local [hbm:s4], s20  }
0x9e: {  	_ =	swait.ge [sflag:s22], s20  }
0x9f: {  	s3 =	ssub.s32 $0x0, s20;
	[sflag:s22] =	ssyncset.done $0x0  }
0xa0: {  	[sflag:s22] =	ssyncadd.s32 s3;
	_ =	sdelay $0x1  }
0xa1: {  	s23 =	simm.s32 $0x1B8B  }
0xa2: {  	_ =	swait.ge [sflag:s23], $0x1  }
0xa3: {  	[sflag:s23] =	ssyncset.done $0x0  }
0xa4: {  	s25 =	simm.s32 $0x1B8E;
	s24 =	sld [smem:$0x3FFE];
	[sflag:s23] =	ssyncadd.s32 $0xFFFFFFFF  }
0xa5: {  	s26 =	simm.s32 $execute0_lowered;
	[smem:$0x3FD2] =	sst s25  }
0xa6: {  	s4 =	sshll.u32 s26, $0x1;
	_ =	strace $0x80000052;
	[dreg:$0x1] =	wrdreg $0xFFFFFFFF  }
0xa7: {  	s28 =	simm.s32 $_size_execute0_lowered;
	s2 =	sadd.s32 s2, s4;
	[dreg:$0x0] =	wrdreg $0x0  }
0xa8: {  	s4 =	sshll.u32 s28, $0x1;
	[dreg:$0x2] =	wrdreg s2  }
0xa9: {  	[dreg:$0x3] =	wrdreg s4  }
0xaa: {  	[dreg:$0x4] =	wrdreg $0xC0  }
0xab: {  	_ =	task [dreg:s6], $0x5FFFF  }
0xac: {  	[dreg:$0x1] =	wrdreg $0xFFFFFFFF  }
0xad: {  	[dreg:$0x0] =	wrdreg $0x60  }
0xae: {  	[dreg:$0x2] =	wrdreg s24  }
0xaf: {  	[dreg:$0x3] =	wrdreg $0x41000  }
0xb0: {  	[dreg:$0x4] =	wrdreg $0x9  }
0xb1: {  	_ =	task.clear_ibuf [dreg:s6], $0x5FFFF;
	_ =	strace $0x90000052  }
0xb2: {  	s29 =	simm.s32 $0x9;
	_ =	strace $0x80000054  }
0xb3: {  	_ =	swait.ge [sflag:s29], $0x1  }
0xb4: {  	[sflag:s29] =	ssyncadd.s32 $0xFFFFFFFF  }
0xb5: {  	_ =	strace $0x90000054  }
0xb6: {  	_ =	sfence  }
0xb7: {  	s30 =	sld [smem:$0x0];
	_ =	sdelay $0x2  }
0xb8: {  	s31 =	sshll.u32 s1, $0xD;
	s1 =	sshrl.u32 s1, $0x2  }
0xb9: {  	s3 =	sand.u32 $0x4000, s31;
	s1 =	sadd.s32 s1, s30  }
0xba: {  	s0 =	sor.u32 s3, s0;
	s1 =	sshll.u32 s1, $0x11  }
0xbb: {  	s0 =	sor.u32 s1, s0  }
0xbc: {  	s0 =	sadd.s32 $0x8F2B, s0  }
0xbd: {  	[sflag:s0] =	ssyncadd.remote.s32 $0x1  }
0xbe: {  	_ =	sfence.sel $0xFFFF  }
0xbf: {  	[dreg:$0x0] =	wrdreg $0xFFFFFFFF;
	(pc) =	sbr.abs _section_cstart, $3  }
0xc0: {  	[dreg:$0x1] =	wrdreg $0xFFFFFFFF  }
0xc1: {  	_ =	task.clear_ibuf [dreg:s6], $0x2FFFF;
	_ =	strace $0x9FFFFFFF  }
0xc2: {  	(tm) =	ssettm $0x7FFFFFFF  }
0xc3: {  	_ =	shalt  }
tec
execute0_lowered:
.L_overlay_start_1:
0x0: {  	(tag) =	ssettag $0x1  }
0x1: {  	s5 =	rddreg [dreg:$0x0];
	s0 =	srdreg.scid  }
0x2: {  	s2 =	rddreg [dreg:$0x1];
	s1 =	stileid.u32  }
0x3: {  	s3 =	simm.s32 $0x0;
	s13 =	simm.s32 $0x80;
	s8 =	smul.u32 $0x14000, s1  }
0x4: {  	s14 =	simm.s32 $0x100;
	s15 =	simm.s32 $0x1;
	s26 =	smul.u32 $0x50000, s1  }
0x5: {  	s6 =	sand.u32 $0x1, s0;
	s0 =	rddreg [dreg:$0x2];
	s30 =	smul.u32 $0x510, s1  }
0x6: {  	s16 =	simm.s32 $0x0;
	[smem:$0x7FF] =	sst s3;
	s7 =	smul.u32 $0x5100, s6  }
0x7: {  	s4 =	sadd.s32 $0x11000, s5;
	s31 =	sshll.u32 s1, $0x6;
	s9 =	smul.u32 $0x140000, s6  }
0x8: {  	_ =	strace $0x80000053;
	s6 =	ssub.s32 $0x2, s6;
	s25 =	sshrl.u32 s8, $0x3  }
0x9: {  	s28 =	sshrl.u32 s6, $0x1;
	s29 =	sshrl.u32 s26, $0x2;
	s10 =	sadd.s32 s7, s5  }
0xa: {  	s8 =	sadd.s32 s8, s9;
	s7 =	sadd.s32 s25, s5;
	s11 =	ssub.s32 s6, s28  }
0xb: {  	s12 =	sadd.s32 s29, s2;
	s6 =	sor.u32 $0x1C02, s31;
	s8 =	sshrl.u32 s8, $0x3  }
0xc: {  	s10 =	sadd.s32 s30, s10;
	s8 =	sadd.s32 s8, s5;
	s5 =	sadd.s32 $0x43C00, s7  }
0xd: {  	s9 =	sadd.s32 $0x6E00, s10;
	s10 =	sadd.s32 $0x39A00, s10;
	s7 =	sadd.s32 $0x6BC00, s8  }
0xe: {  	s8 =	smax.u32 s11, $0x1;
	s11 =	sshrl.u32 s12, $0x3;
	s12 =	simm.s32 $0x2  }
.LBB2_1:
0xf: {  	[spmem:s11], [sflag:s6] =	dma.local [hbm:s5], $0x2800  }
0x10: {  	_ =	swait.ge [sflag:s12], $0x2800  }
0x11: {  	[sflag:s12] =	ssyncset.done $0x0  }
0x12: {  	[sflag:s12] =	ssyncadd.s32 $0xFFFFD800  }
0x13: {  	s17 =	sadd.s32 $0x0, s10;
	[bflag:$0x0] =	sbarrier.arrive $0xFFFF  }
0x14: {  	[tilespmem:s3], [sflag:$0x2] =	stream.linear.gather [hbm4b:s17+s3], $0x80, $0x38;
	[tilespmem:$0x18100] =	vst v63  }
0x15: {  	_ =	swait.ge [sflag:s12], $0x80  }
0x16: {  	[sflag:s12] =	ssyncset.done $0x0  }
0x17: {  	s31 =	sadd.s32 $0x0, s9;
	[sflag:s12] =	ssyncadd.s32 $0xFFFFFF80  }
0x18: {  	[tilespmem:s13], [sflag:$0x2] =	stream.linear.gather [hbm4b:s31+s3], $0x80, $0x38;
	[tilespmem:$0x18100] =	vst v63  }
0x19: {  	_ =	swait.ge [sflag:s12], $0x80  }
0x1a: {  	[sflag:s12] =	ssyncset.done $0x0  }
0x1b: {  	[sflag:s12] =	ssyncadd.s32 $0xFFFFFF80  }
0x1c: {  	[tilespmem:s14], [sflag:$0x1] =	stream.indirect.gather [hbm4b:s4+s13], $0x80, s3, s13, $0xb8;
	[tilespmem:$0x18100] =	vst v63  }
0x1d: {  	_ =	swait.ge [sflag:s15], $0x4000  }
0x1e: {  	[sflag:s15] =	ssyncset.done $0x0  }
0x1f: {  	[sflag:s15] =	ssyncadd.s32 $0xFFFFC000  }
0x20: {  	[spmem:s2] =	stream.indirect.scatter.add.f32 [tilespmem:s14], [sflag:$0x2], $0x80, s13, s13, $0xb8;
	[tilespmem:$0x18100] =	vst v63  }
0x21: {  	_ =	swait.ge [sflag:s12], $0x4000  }
0x22: {  	s18 =	simm.s32 $0x20;
	s17 =	simm.s32 $0x10;
	[sflag:s12] =	ssyncset.done $0x0  }
.LBB2_2:
0x23: {  	s19 =	sadd.s32 s17, s10  }
0x24: {  	[sflag:s12] =	ssyncadd.s32 $0xFFFFC000;
	s20 =	smov.u32 s18;
	s21 =	sadd.s32 $0x10, s18  }
0x25: {  	[tilespmem:s3], [sflag:$0x2] =	stream.linear.gather [hbm4b:s19+s3], $0x80, $0x38;
	[tilespmem:$0x18100] =	vst v63  }
0x26: {  	p0 =	sne.s32 s18, $0x500;
	_ =	swait.ge [sflag:s12], $0x80  }
0x27: {  	[sflag:s12] =	ssyncset.done $0x0  }
0x28: {  	s18 =	sadd.s32 s17, s9;
	s17 =	smov.u32 s20;
	[sflag:s12] =	ssyncadd.s32 $0xFFFFFF80  }
0x29: {  	[tilespmem:s13], [sflag:$0x2] =	stream.linear.gather [hbm4b:s18+s3], $0x80, $0x38;
	[tilespmem:$0x18100] =	vst v63  }
0x2a: {  	_ =	swait.ge [sflag:s12], $0x80  }
0x2b: {  	[sflag:s12] =	ssyncset.done $0x0  }
0x2c: {  	[sflag:s12] =	ssyncadd.s32 $0xFFFFFF80  }
0x2d: {  	[tilespmem:s14], [sflag:$0x1] =	stream.indirect.gather [hbm4b:s4+s13], $0x80, s3, s13, $0xb8;
	[tilespmem:$0x18100] =	vst v63  }
0x2e: {  	_ =	swait.ge [sflag:s15], $0x4000  }
.Ltmp0:
0x2f: {  	[sflag:s15] =	ssyncset.done $0x0;
	(pc) =	sbr.rel @p0 .LBB2_2-.Ltmp0, $4  }
0x30: {  	[sflag:s15] =	ssyncadd.s32 $0xFFFFC000  }
0x31: {  	[spmem:s2] =	stream.indirect.scatter.add.f32 [tilespmem:s14], [sflag:$0x2], $0x80, s13, s13, $0xb8;
	[tilespmem:$0x18100] =	vst v63  }
0x32: {  	_ =	swait.ge [sflag:s12], $0x4000  }
0x33: {  	s18 =	smov.u32 s21;
	[sflag:s12] =	ssyncset.done $0x0  }
0x34: {  	s18 =	sadd.s32 s17, s10;
	[sflag:s12] =	ssyncadd.s32 $0xFFFFC000  }
0x35: {  	[tilespmem:s3], [sflag:$0x2] =	stream.linear.gather [hbm4b:s18+s3], $0x80, $0x38;
	[tilespmem:$0x18100] =	vst v63  }
0x36: {  	_ =	swait.ge [sflag:s12], $0x80  }
0x37: {  	[sflag:s12] =	ssyncset.done $0x0  }
0x38: {  	s31 =	sadd.s32 s17, s9;
	[sflag:s12] =	ssyncadd.s32 $0xFFFFFF80  }
0x39: {  	[tilespmem:s13], [sflag:$0x2] =	stream.linear.gather [hbm4b:s31+s3], $0x80, $0x38;
	[tilespmem:$0x18100] =	vst v63  }
0x3a: {  	_ =	swait.ge [sflag:s12], $0x80  }
0x3b: {  	[sflag:s12] =	ssyncset.done $0x0  }
0x3c: {  	[sflag:s12] =	ssyncadd.s32 $0xFFFFFF80  }
0x3d: {  	[tilespmem:s14], [sflag:$0x1] =	stream.indirect.gather [hbm4b:s4+s13], $0x80, s3, s13, $0xb8;
	[tilespmem:$0x18100] =	vst v63  }
0x3e: {  	_ =	swait.ge [sflag:s15], $0x4000  }
0x3f: {  	[sflag:s15] =	ssyncset.done $0x0  }
0x40: {  	[sflag:s15] =	ssyncadd.s32 $0xFFFFC000  }
0x41: {  	[spmem:s2] =	stream.indirect.scatter.add.f32 [tilespmem:s14], [sflag:$0x2], $0x80, s13, s13, $0xb8;
	[tilespmem:$0x18100] =	vst v63  }
0x42: {  	_ =	swait.ge [sflag:s12], $0x4000  }
0x43: {  	s16 =	sadd.s32 $0x1, s16;
	[sflag:s12] =	ssyncset.done $0x0  }
0x44: {  	p0 =	sne.s32 s16, s8;
	[sflag:s12] =	ssyncadd.s32 $0xFFFFC000  }
.Ltmp1:
0x45: {  	[bflag:$0x0] =	sbarrier.arrive $0xFFFF;
	(pc) =	sbr.rel @p0 .LBB2_1-.Ltmp1, $4  }
0x46: {  	[hbm:s7], [sflag:s6] =	dma.local [spmem:s11], $0x2800  }
0x47: {  	_ =	swait.ge [sflag:s12], $0x2800  }
0x48: {  	[sflag:s12] =	ssyncset.done $0x0  }
0x49: {  	[sflag:s12] =	ssyncadd.s32 $0xFFFFD800  }
0x4a: {  	_ =	sfence.sel $0x180000  }
0x4b: {  	[bflag:$0x0] =	sbarrier.arrive $0xFFFF  }
0x4c: {  	p0 =	sne.s32 s1, $0x0;
	_ =	strace $0x90000053  }
0x4d: {  	s0 =	sadd.s32 @!p0 $0x100000, s0;
	[bflag:$0x2] =	sbarrier.arrive $0xFFFF  }
0x4e: {  	[sflag:s0] =	ssyncadd.tile.s32 @!p0 $0x1;
	_ =	shalt  }
.Lfunc_end2:
_tile_overlayer_lowered:
.L_overlay_start_2:
0x4f: {  	(tag) =	ssettag $0x2  }
0x50: {  	s0 =	rddreg [dreg:$0x0];
	s2 =	stileid.u32  }
0x51: {  	s1 =	rddreg [dreg:$0x1];
	p0 =	sne.s32 s2, $0x0  }
0x52: {  	s3 =	rddreg [dreg:$0x2];
	[bflag:$0x3] =	sbarrier.arrive $0xFFFF;
	s2 =	simm.s32 @!p0 $0x1C02  }
0x53: {  	[timem:s3], [sflag:s2] =	dma.local @!p0 [hbm:s0], s1  }
0x54: {  	s0 =	simm.s32 @!p0 $0x2  }
0x55: {  	_ =	swait.ge @!p0 [sflag:s0], s1  }
0x56: {  	s1 =	ssub.s32 @!p0 $0x0, s1;
	[sflag:s0] =	ssyncset.done @!p0 $0x0  }
0x57: {  	[sflag:s0] =	ssyncadd.s32 @!p0 s1  }
0x58: {  	[bflag:$0x3] =	sbarrier.arrive $0xFFFF  }
0x59: {  	_ =	shalt  }

</sc_bundles>
